<compile_context>
chip_gen: v7x
topology: tpu7x:2x2x1
jax: 0.10.2.dev20260603
libtpu: 0.0.44.dev20260713+nightly
codegen_flags: <defaults>
</compile_context>

<pallas_src>
import functools

import jax
import jax.numpy as jnp
from jax import lax
from jax.experimental import pallas as pl
from jax.experimental.pallas import tpu as pltpu
from jax.experimental.pallas import tpu_sc as plsc

_THRESH = 0.5
_ROWS = 128
_COLS = 32768
_LANES = 16
_UNROLL = 8
_STEP = _LANES * _UNROLL
_NITER = _COLS // _STEP

_SC_ROWS = 32
_SC_RPW = _SC_ROWS // 32
_TC_ROWS = _ROWS - _SC_ROWS
_TC_BLK = 8



def _merge(a, b):
    va, ia = a
    vb, ib = b
    take = (vb > va) | ((vb == va) & (ib < ia))
    return jnp.where(take, vb, va), jnp.where(take, ib, ia)


def _row_argmax(bufref, lane):
    init_v = tuple(jnp.full((_LANES,), -jnp.inf, jnp.float32) for _ in range(_UNROLL))
    init_s = tuple(jnp.zeros((_LANES,), jnp.int32) for _ in range(_UNROLL))

    @plsc.parallel_loop(0, _NITER, 1, unroll=2, carry=(init_v, init_s))
    def loop(i, carry):
        vs, ss = carry
        base = i * _STEP
        si = jnp.full((_LANES,), i, jnp.int32)
        nvs, nss = [], []
        for k in range(_UNROLL):
            v = bufref[pl.ds(base + k * _LANES, _LANES)]
            gt = v > vs[k]
            nvs.append(jnp.maximum(v, vs[k]))
            nss.append(jnp.where(gt, si, ss[k]))
        return tuple(nvs), tuple(nss)

    vs, ss = loop
    pairs = [(vs[k], ss[k] * _STEP + (k * _LANES) + lane) for k in range(_UNROLL)]
    while len(pairs) > 1:
        pairs = [_merge(pairs[2 * j], pairs[2 * j + 1]) for j in range(len(pairs) // 2)]
    val, idx = pairs[0]
    m = jnp.max(val)
    idxm = jnp.where(val == m, idx, jnp.int32(2**31 - 1))
    best = jnp.min(idxm)
    return m, best


def _sc_body(x_hbm, out_hbm, buf0, buf1, outv, zbuf, shared, sem0, sem1):
    cid = lax.axis_index("c")
    sid = lax.axis_index("s")
    wid = cid * 16 + sid
    row0 = _TC_ROWS + wid * _SC_RPW
    lane = lax.iota(jnp.int32, _LANES)
    bufs = [buf0, buf1]
    sems = [sem0, sem1]
    nzb = (_SC_ROWS // 2) // _LANES

    @pl.when(sid == 0)
    def _zero():
        for j in range(nzb):
            zbuf[pl.ds(j * _LANES, _LANES)] = jnp.zeros((_LANES,), jnp.int32)
        pltpu.sync_copy(zbuf, shared)

    cp = pltpu.async_copy(x_hbm.at[row0], buf0, sem0)
    out_vec = jnp.zeros((_LANES,), jnp.int32)
    lane_base = (_SC_RPW * sid) % _LANES
    for r in range(_SC_RPW):
        if r + 1 < _SC_RPW:
            nxt = pltpu.async_copy(
                x_hbm.at[row0 + r + 1], bufs[(r + 1) % 2], sems[(r + 1) % 2]
            )
        cp.wait()
        m, best = _row_argmax(bufs[r % 2], lane)
        ans = jnp.where(m >= _THRESH, best, jnp.int32(-1))
        out_vec = jnp.where(lane == lane_base + r, ans, out_vec)
        if r + 1 < _SC_RPW:
            cp = nxt
    outv[...] = out_vec

    plsc.subcore_barrier()
    idxs = _LANES * ((_SC_RPW * sid) // _LANES) + lane
    pltpu.sync_copy(outv, shared.at[idxs], add=True)
    plsc.subcore_barrier()

    @pl.when(sid == 0)
    def _writeout():
        pltpu.sync_copy(shared, out_hbm.at[cid])


@functools.partial(
    pl.kernel,
    mesh=plsc.VectorSubcoreMesh(core_axis_name="c", subcore_axis_name="s"),
    out_type=jax.ShapeDtypeStruct((2, _SC_ROWS // 2), jnp.int32),
    scratch_types=[
        pltpu.VMEM((_COLS,), jnp.float32),
        pltpu.VMEM((_COLS,), jnp.float32),
        pltpu.VMEM((_LANES,), jnp.int32),
        pltpu.VMEM((_SC_ROWS // 2,), jnp.int32),
        pltpu.VMEM_SHARED((_SC_ROWS // 2,), jnp.int32),
        pltpu.SemaphoreType.DMA,
        pltpu.SemaphoreType.DMA,
    ],
    compiler_params=pltpu.CompilerParams(needs_layout_passes=False),
)
def _sc_matcher(x_hbm, out_hbm, buf0, buf1, outv, zbuf, shared, sem0, sem1):
    _sc_body(x_hbm, out_hbm, buf0, buf1, outv, zbuf, shared, sem0, sem1)



_TC_ACC = 8


def _tc_block_kernel(x_ref, o_ref):
    nsteps = _COLS // 128 // _TC_ACC
    lane = lax.broadcasted_iota(jnp.int32, (_TC_BLK, 128), 1)
    init_v = tuple(
        jnp.full((_TC_BLK, 128), -jnp.inf, jnp.float32) for _ in range(_TC_ACC)
    )
    init_s = tuple(jnp.zeros((_TC_BLK, 128), jnp.int32) for _ in range(_TC_ACC))

    vs, ss = list(init_v), list(init_s)
    for j in range(nsteps):
        sj = jnp.full((_TC_BLK, 128), j, jnp.int32)
        for k in range(_TC_ACC):
            col = (j * _TC_ACC + k) * 128
            v = x_ref[:, col : col + 128]
            gt = v > vs[k]
            vs[k] = jnp.maximum(v, vs[k])
            ss[k] = jnp.where(gt, sj, ss[k])
    pairs = [(vs[k], (ss[k] * _TC_ACC + k) * 128 + lane) for k in range(_TC_ACC)]
    while len(pairs) > 1:
        pairs = [_merge(pairs[2 * i], pairs[2 * i + 1]) for i in range(len(pairs) // 2)]
    val, idx = pairs[0]
    m = jnp.max(val, axis=1, keepdims=True)
    big = jnp.int32(2**31 - 1)
    best = jnp.min(jnp.where(val == m, idx, big), axis=1)
    ans = jnp.where(m[:, 0] >= _THRESH, best, jnp.int32(-1))
    o_ref[...] = ans.reshape(1, 1, _TC_BLK)


def _tc_matcher(x):
    nb = _TC_ROWS // _TC_BLK
    out = pl.pallas_call(
        _tc_block_kernel,
        grid=(nb,),
        in_specs=[pl.BlockSpec((_TC_BLK, _COLS), lambda i: (i, 0))],
        out_specs=pl.BlockSpec((1, 1, _TC_BLK), lambda i: (i, 0, 0)),
        out_shape=jax.ShapeDtypeStruct((nb, 1, _TC_BLK), jnp.int32),
    )(x)
    return out.reshape(_TC_ROWS)


def kernel(x):
    sc_out = _sc_matcher(x).reshape(_SC_ROWS)
    tc_out = _tc_matcher(x)
    return jnp.concatenate([tc_out, sc_out])

# --- scband reference (transcript-rebuilt; emitter-appended) ---
"""Pipeline reference for scband-maximum-matcher-36567351558160 (READ-ONLY COPY).

The authoritative reference and input builder live on the scoring server;
editing this copy changes nothing except your own understanding.
"""

import jax, jax.numpy as jnp
import numpy as np

THRESHOLD = 0.5

def setup_inputs(seed: int = 0) -> dict:
    key = jax.random.key(seed)
    x = jax.random.normal(key, (128, 32768), dtype=jnp.float32)
    return {"x": x}

def reference(x):
    # argmax over last dim, keepdims=True (matches torch.argmax(x, -1, True))
    argmax = jnp.argmax(x, axis=-1, keepdims=True)
    # gather the max value along last dim (matches x.gather(-1, argmax))
    gathered = jnp.take_along_axis(x, argmax, axis=-1)
    # threshold: keep index if max value >= threshold, else -1
    match = jnp.where(gathered >= THRESHOLD, argmax, -jnp.ones_like(argmax))
    return jnp.squeeze(match)

if __name__ == "__main__":
    import jax
    _d = setup_inputs()
    print(jax.jit(kernel)(*tuple(_d.values())))

</pallas_src>

<mosaic_0001>
#map = affine_map<(d0, d1) -> (0, 0)>
module attributes {stable_mosaic.version = 14 : i64} {
  func.func @_sc_matcher(%arg0: i32, %arg1: i32, %arg2: memref<128x32768xf32, #tpu.memory_space<hbm>>, %arg3: memref<2x16xi32, #tpu.memory_space<hbm>>, %arg4: memref<32768xf32, #tpu.memory_space<vmem>>, %arg5: memref<32768xf32, #tpu.memory_space<vmem>>, %arg6: memref<16xi32, #tpu.memory_space<vmem>>, %arg7: memref<16xi32, #tpu.memory_space<vmem>>, %arg8: memref<16xi32, #tpu.memory_space<vmem_shared>>, %arg9: memref<!tpu.dma_semaphore, #tpu.memory_space<semaphore_mem>>, %arg10: memref<!tpu.dma_semaphore, #tpu.memory_space<semaphore_mem>>) attributes {dimension_semantics = [#tpu.dimension_semantics<core_parallel>, #tpu.dimension_semantics<subcore_parallel>], iteration_bounds = array<i64: 2, 16>, scalar_prefetch = 0 : i64, scratch_operands = 7 : i64, tpu.core_type = #tpu.core_type<sc_vector_subcore>, window_params = [{transform_indices = #map}, {transform_indices = #map}]} {
    %mul3A = arith.constant 16 : i32
    %mul3A_0 = arith.muli %arg0, %mul3A : i32
    %add3A = arith.addi %mul3A_0, %arg1 : i32
    %mul3A_1 = arith.constant 1 : i32
    %mul3A_2 = arith.muli %add3A, %mul3A_1 : i32
    %add3A_3 = arith.constant 96 : i32
    %add3A_4 = arith.addi %add3A_3, %mul3A_2 : i32
    %iota3A = tpu.iota {dimensions = array<i32: 0>} : vector<16xi32>
    %eq3A = arith.constant 0 : i32
    %eq3A_5 = arith.cmpi eq, %arg1, %eq3A : i32
    %convert_element_type3A = arith.extui %eq3A_5 : i1 to i32
    %cond3A = arith.constant 0 : i32
    %cond3A_6 = arith.cmpi ne, %convert_element_type3A, %cond3A : i32
    scf.if %cond3A_6 {
      %broadcast_in_dim3A_226 = arith.constant 0 : i32
      %broadcast_in_dim3A_227 = vector.broadcast %broadcast_in_dim3A_226 : i32 to vector<16xi32>
      %swap3A_228 = arith.constant 0 : index
      %swap3A_229 = tpu.vector_load %arg7[%swap3A_228] {strides = array<i32>} : memref<16xi32, #tpu.memory_space<vmem>>, vector<16xi32>,
      tpu.vector_store %arg7[%swap3A_228], %broadcast_in_dim3A_227 {strides = array<i32>} : memref<16xi32, #tpu.memory_space<vmem>>, vector<16xi32>,
      "tpu.region"() ({
        %run_scoped3A = tpu.sem_alloc : memref<!tpu.dma_semaphore, #tpu.memory_space<semaphore_mem>>
        tpu.enqueue_dma source(%arg7 : memref<16xi32, #tpu.memory_space<vmem>>) target(%arg8 : memref<16xi32, #tpu.memory_space<vmem_shared>>) target_semaphore(%run_scoped3A : memref<!tpu.dma_semaphore, #tpu.memory_space<semaphore_mem>>)
        tpu.wait_dma2 semaphore(%run_scoped3A : memref<!tpu.dma_semaphore, #tpu.memory_space<semaphore_mem>>) src(%arg7 : memref<16xi32, #tpu.memory_space<vmem>>) dst(%arg8 : memref<16xi32, #tpu.memory_space<vmem_shared>>)
        tpu.yield
      }) : () -> ()
    } else {
    }
    %dma_start3A = arith.constant 0 : i32
    %dma_start3A_7 = tpu.memref_slice %arg2[%add3A_4, %dma_start3A] : memref<128x32768xf32, #tpu.memory_space<hbm>> -> memref<1x32768xf32, #tpu.memory_space<hbm>>
    %dma_start3A_8 = tpu.memref_squeeze %dma_start3A_7 : memref<1x32768xf32, #tpu.memory_space<hbm>> -> memref<32768xf32, #tpu.memory_space<hbm>>
    %dma_start3A_9 = arith.constant 0 : i32
    %dma_start3A_10 = tpu.memref_slice %arg2[%add3A_4, %dma_start3A_9] : memref<128x32768xf32, #tpu.memory_space<hbm>> -> memref<1x32768xf32, #tpu.memory_space<hbm>>
    %dma_start3A_11 = tpu.memref_squeeze %dma_start3A_10 : memref<1x32768xf32, #tpu.memory_space<hbm>> -> memref<32768xf32, #tpu.memory_space<hbm>>
    tpu.enqueue_dma source(%dma_start3A_11 : memref<32768xf32, #tpu.memory_space<hbm>>) target(%arg4 : memref<32768xf32, #tpu.memory_space<vmem>>) target_semaphore(%arg9 : memref<!tpu.dma_semaphore, #tpu.memory_space<semaphore_mem>>)
    %broadcast_in_dim3A = arith.constant 0 : i32
    %broadcast_in_dim3A_12 = vector.broadcast %broadcast_in_dim3A : i32 to vector<16xi32>
    %mul3A_13 = arith.constant 1 : i32
    %mul3A_14 = arith.muli %mul3A_13, %arg1 : i32
    %jit3A = arith.constant 16 : i32
    %eq3A_15 = arith.constant 0 : i32
    %eq3A_16 = arith.cmpi eq, %jit3A, %eq3A_15 : i32
    %jit3A_17 = arith.constant 1 : i32
    %select_n3A = arith.select %eq3A_16, %jit3A_17, %jit3A : i32
    %rem3A = arith.remsi %mul3A_14, %select_n3A : i32
    %ne3A = arith.constant 0 : i32
    %ne3A_18 = arith.cmpi ne, %rem3A, %ne3A : i32
    %lt3A = arith.constant 0 : i32
    %lt3A_19 = arith.cmpi slt, %rem3A, %lt3A : i32
    %lt3A_20 = arith.constant 0 : i32
    %lt3A_21 = arith.cmpi slt, %select_n3A, %lt3A_20 : i32
    %ne3A_22 = arith.xori %lt3A_19, %lt3A_21 : i1
    %and3A = arith.andi %ne3A_22, %ne3A_18 : i1
    %add3A_23 = arith.addi %rem3A, %select_n3A : i32
    %select_n3A_24 = arith.select %and3A, %add3A_23, %rem3A : i32
    %dma_wait3A = arith.constant 0 : i32
    %dma_wait3A_25 = tpu.memref_slice %arg2[%add3A_4, %dma_wait3A] : memref<128x32768xf32, #tpu.memory_space<hbm>> -> memref<1x32768xf32, #tpu.memory_space<hbm>>
    %dma_wait3A_26 = tpu.memref_squeeze %dma_wait3A_25 : memref<1x32768xf32, #tpu.memory_space<hbm>> -> memref<32768xf32, #tpu.memory_space<hbm>>
    %dma_wait3A_27 = arith.constant 0 : i32
    %dma_wait3A_28 = tpu.memref_slice %arg2[%add3A_4, %dma_wait3A_27] : memref<128x32768xf32, #tpu.memory_space<hbm>> -> memref<1x32768xf32, #tpu.memory_space<hbm>>
    %dma_wait3A_29 = tpu.memref_squeeze %dma_wait3A_28 : memref<1x32768xf32, #tpu.memory_space<hbm>> -> memref<32768xf32, #tpu.memory_space<hbm>>
    tpu.wait_dma2 semaphore(%arg9 : memref<!tpu.dma_semaphore, #tpu.memory_space<semaphore_mem>>) src(%dma_wait3A_29 : memref<32768xf32, #tpu.memory_space<hbm>>) dst(%arg4 : memref<32768xf32, #tpu.memory_space<vmem>>)
    %broadcast_in_dim3A_30 = arith.constant 0xFF800000 : f32
    %broadcast_in_dim3A_31 = vector.broadcast %broadcast_in_dim3A_30 : f32 to vector<16xf32>
    %broadcast_in_dim3A_32 = arith.constant 0xFF800000 : f32
    %broadcast_in_dim3A_33 = vector.broadcast %broadcast_in_dim3A_32 : f32 to vector<16xf32>
    %broadcast_in_dim3A_34 = arith.constant 0xFF800000 : f32
    %broadcast_in_dim3A_35 = vector.broadcast %broadcast_in_dim3A_34 : f32 to vector<16xf32>
    %broadcast_in_dim3A_36 = arith.constant 0xFF800000 : f32
    %broadcast_in_dim3A_37 = vector.broadcast %broadcast_in_dim3A_36 : f32 to vector<16xf32>
    %broadcast_in_dim3A_38 = arith.constant 0xFF800000 : f32
    %broadcast_in_dim3A_39 = vector.broadcast %broadcast_in_dim3A_38 : f32 to vector<16xf32>
    %broadcast_in_dim3A_40 = arith.constant 0xFF800000 : f32
    %broadcast_in_dim3A_41 = vector.broadcast %broadcast_in_dim3A_40 : f32 to vector<16xf32>
    %broadcast_in_dim3A_42 = arith.constant 0xFF800000 : f32
    %broadcast_in_dim3A_43 = vector.broadcast %broadcast_in_dim3A_42 : f32 to vector<16xf32>
    %broadcast_in_dim3A_44 = arith.constant 0xFF800000 : f32
    %broadcast_in_dim3A_45 = vector.broadcast %broadcast_in_dim3A_44 : f32 to vector<16xf32>
    %broadcast_in_dim3A_46 = arith.constant 0 : i32
    %broadcast_in_dim3A_47 = vector.broadcast %broadcast_in_dim3A_46 : i32 to vector<16xi32>
    %broadcast_in_dim3A_48 = arith.constant 0 : i32
    %broadcast_in_dim3A_49 = vector.broadcast %broadcast_in_dim3A_48 : i32 to vector<16xi32>
    %broadcast_in_dim3A_50 = arith.constant 0 : i32
    %broadcast_in_dim3A_51 = vector.broadcast %broadcast_in_dim3A_50 : i32 to vector<16xi32>
    %broadcast_in_dim3A_52 = arith.constant 0 : i32
    %broadcast_in_dim3A_53 = vector.broadcast %broadcast_in_dim3A_52 : i32 to vector<16xi32>
    %broadcast_in_dim3A_54 = arith.constant 0 : i32
    %broadcast_in_dim3A_55 = vector.broadcast %broadcast_in_dim3A_54 : i32 to vector<16xi32>
    %broadcast_in_dim3A_56 = arith.constant 0 : i32
    %broadcast_in_dim3A_57 = vector.broadcast %broadcast_in_dim3A_56 : i32 to vector<16xi32>
    %broadcast_in_dim3A_58 = arith.constant 0 : i32
    %broadcast_in_dim3A_59 = vector.broadcast %broadcast_in_dim3A_58 : i32 to vector<16xi32>
    %broadcast_in_dim3A_60 = arith.constant 0 : i32
    %broadcast_in_dim3A_61 = vector.broadcast %broadcast_in_dim3A_60 : i32 to vector<16xi32>
    %parallel_loop3A = arith.constant 0 : i32
    %parallel_loop3A_62 = arith.constant 256 : i32
    %parallel_loop3A_63 = arith.constant 1 : i32
    %parallel_loop3A_64:16 = scf.for %parallel_loop3A_226 = %parallel_loop3A to %parallel_loop3A_62 step %parallel_loop3A_63 iter_args(%parallel_loop3A_227 = %broadcast_in_dim3A_31, %parallel_loop3A_228 = %broadcast_in_dim3A_33, %parallel_loop3A_229 = %broadcast_in_dim3A_35, %parallel_loop3A_230 = %broadcast_in_dim3A_37, %parallel_loop3A_231 = %broadcast_in_dim3A_39, %parallel_loop3A_232 = %broadcast_in_dim3A_41, %parallel_loop3A_233 = %broadcast_in_dim3A_43, %parallel_loop3A_234 = %broadcast_in_dim3A_45, %parallel_loop3A_235 = %broadcast_in_dim3A_47, %parallel_loop3A_236 = %broadcast_in_dim3A_49, %parallel_loop3A_237 = %broadcast_in_dim3A_51, %parallel_loop3A_238 = %broadcast_in_dim3A_53, %parallel_loop3A_239 = %broadcast_in_dim3A_55, %parallel_loop3A_240 = %broadcast_in_dim3A_57, %parallel_loop3A_241 = %broadcast_in_dim3A_59, %parallel_loop3A_242 = %broadcast_in_dim3A_61) -> (vector<16xf32>, vector<16xf32>, vector<16xf32>, vector<16xf32>, vector<16xf32>, vector<16xf32>, vector<16xf32>, vector<16xf32>, vector<16xi32>, vector<16xi32>, vector<16xi32>, vector<16xi32>, vector<16xi32>, vector<16xi32>, vector<16xi32>, vector<16xi32>)  : i32 {
      %parallel_loop3A_243 = arith.constant 128 : i32
      %parallel_loop3A_244 = arith.muli %parallel_loop3A_226, %parallel_loop3A_243 : i32
      %parallel_loop3A_245 = vector.broadcast %parallel_loop3A_226 : i32 to vector<16xi32>
      %parallel_loop3A_246 = arith.constant 0 : i32
      %parallel_loop3A_247 = arith.addi %parallel_loop3A_244, %parallel_loop3A_246 : i32
      %parallel_loop3A_248 = arith.index_cast %parallel_loop3A_247 : i32 to index
      %parallel_loop3A_249 = tpu.vector_load %arg4[%parallel_loop3A_248] {strides = array<i32>} : memref<32768xf32, #tpu.memory_space<vmem>>, vector<16xf32>,
      %parallel_loop3A_250 = arith.cmpf ogt, %parallel_loop3A_249, %parallel_loop3A_227 : vector<16xf32>
      %parallel_loop3A_251 = arith.maximumf %parallel_loop3A_249, %parallel_loop3A_227 : vector<16xf32>
      %parallel_loop3A_252 = arith.select %parallel_loop3A_250, %parallel_loop3A_245, %parallel_loop3A_235 : vector<16xi1>, vector<16xi32>
      %parallel_loop3A_253 = arith.constant 16 : i32
      %parallel_loop3A_254 = arith.addi %parallel_loop3A_244, %parallel_loop3A_253 : i32
      %parallel_loop3A_255 = arith.index_cast %parallel_loop3A_254 : i32 to index
      %parallel_loop3A_256 = tpu.vector_load %arg4[%parallel_loop3A_255] {strides = array<i32>} : memref<32768xf32, #tpu.memory_space<vmem>>, vector<16xf32>,
      %parallel_loop3A_257 = arith.cmpf ogt, %parallel_loop3A_256, %parallel_loop3A_228 : vector<16xf32>
      %parallel_loop3A_258 = arith.maximumf %parallel_loop3A_256, %parallel_loop3A_228 : vector<16xf32>
      %parallel_loop3A_259 = arith.select %parallel_loop3A_257, %parallel_loop3A_245, %parallel_loop3A_236 : vector<16xi1>, vector<16xi32>
      %parallel_loop3A_260 = arith.constant 32 : i32
      %parallel_loop3A_261 = arith.addi %parallel_loop3A_244, %parallel_loop3A_260 : i32
      %parallel_loop3A_262 = arith.index_cast %parallel_loop3A_261 : i32 to index
      %parallel_loop3A_263 = tpu.vector_load %arg4[%parallel_loop3A_262] {strides = array<i32>} : memref<32768xf32, #tpu.memory_space<vmem>>, vector<16xf32>,
      %parallel_loop3A_264 = arith.cmpf ogt, %parallel_loop3A_263, %parallel_loop3A_229 : vector<16xf32>
      %parallel_loop3A_265 = arith.maximumf %parallel_loop3A_263, %parallel_loop3A_229 : vector<16xf32>
      %parallel_loop3A_266 = arith.select %parallel_loop3A_264, %parallel_loop3A_245, %parallel_loop3A_237 : vector<16xi1>, vector<16xi32>
      %parallel_loop3A_267 = arith.constant 48 : i32
      %parallel_loop3A_268 = arith.addi %parallel_loop3A_244, %parallel_loop3A_267 : i32
      %parallel_loop3A_269 = arith.index_cast %parallel_loop3A_268 : i32 to index
      %parallel_loop3A_270 = tpu.vector_load %arg4[%parallel_loop3A_269] {strides = array<i32>} : memref<32768xf32, #tpu.memory_space<vmem>>, vector<16xf32>,
      %parallel_loop3A_271 = arith.cmpf ogt, %parallel_loop3A_270, %parallel_loop3A_230 : vector<16xf32>
      %parallel_loop3A_272 = arith.maximumf %parallel_loop3A_270, %parallel_loop3A_230 : vector<16xf32>
      %parallel_loop3A_273 = arith.select %parallel_loop3A_271, %parallel_loop3A_245, %parallel_loop3A_238 : vector<16xi1>, vector<16xi32>
      %parallel_loop3A_274 = arith.constant 64 : i32
      %parallel_loop3A_275 = arith.addi %parallel_loop3A_244, %parallel_loop3A_274 : i32
      %parallel_loop3A_276 = arith.index_cast %parallel_loop3A_275 : i32 to index
      %parallel_loop3A_277 = tpu.vector_load %arg4[%parallel_loop3A_276] {strides = array<i32>} : memref<32768xf32, #tpu.memory_space<vmem>>, vector<16xf32>,
      %parallel_loop3A_278 = arith.cmpf ogt, %parallel_loop3A_277, %parallel_loop3A_231 : vector<16xf32>
      %parallel_loop3A_279 = arith.maximumf %parallel_loop3A_277, %parallel_loop3A_231 : vector<16xf32>
      %parallel_loop3A_280 = arith.select %parallel_loop3A_278, %parallel_loop3A_245, %parallel_loop3A_239 : vector<16xi1>, vector<16xi32>
      %parallel_loop3A_281 = arith.constant 80 : i32
      %parallel_loop3A_282 = arith.addi %parallel_loop3A_244, %parallel_loop3A_281 : i32
      %parallel_loop3A_283 = arith.index_cast %parallel_loop3A_282 : i32 to index
      %parallel_loop3A_284 = tpu.vector_load %arg4[%parallel_loop3A_283] {strides = array<i32>} : memref<32768xf32, #tpu.memory_space<vmem>>, vector<16xf32>,
      %parallel_loop3A_285 = arith.cmpf ogt, %parallel_loop3A_284, %parallel_loop3A_232 : vector<16xf32>
      %parallel_loop3A_286 = arith.maximumf %parallel_loop3A_284, %parallel_loop3A_232 : vector<16xf32>
      %parallel_loop3A_287 = arith.select %parallel_loop3A_285, %parallel_loop3A_245, %parallel_loop3A_240 : vector<16xi1>, vector<16xi32>
      %parallel_loop3A_288 = arith.constant 96 : i32
      %parallel_loop3A_289 = arith.addi %parallel_loop3A_244, %parallel_loop3A_288 : i32
      %parallel_loop3A_290 = arith.index_cast %parallel_loop3A_289 : i32 to index
      %parallel_loop3A_291 = tpu.vector_load %arg4[%parallel_loop3A_290] {strides = array<i32>} : memref<32768xf32, #tpu.memory_space<vmem>>, vector<16xf32>,
      %parallel_loop3A_292 = arith.cmpf ogt, %parallel_loop3A_291, %parallel_loop3A_233 : vector<16xf32>
      %parallel_loop3A_293 = arith.maximumf %parallel_loop3A_291, %parallel_loop3A_233 : vector<16xf32>
      %parallel_loop3A_294 = arith.select %parallel_loop3A_292, %parallel_loop3A_245, %parallel_loop3A_241 : vector<16xi1>, vector<16xi32>
      %parallel_loop3A_295 = arith.constant 112 : i32
      %parallel_loop3A_296 = arith.addi %parallel_loop3A_244, %parallel_loop3A_295 : i32
      %parallel_loop3A_297 = arith.index_cast %parallel_loop3A_296 : i32 to index
      %parallel_loop3A_298 = tpu.vector_load %arg4[%parallel_loop3A_297] {strides = array<i32>} : memref<32768xf32, #tpu.memory_space<vmem>>, vector<16xf32>,
      %parallel_loop3A_299 = arith.cmpf ogt, %parallel_loop3A_298, %parallel_loop3A_234 : vector<16xf32>
      %parallel_loop3A_300 = arith.maximumf %parallel_loop3A_298, %parallel_loop3A_234 : vector<16xf32>
      %parallel_loop3A_301 = arith.select %parallel_loop3A_299, %parallel_loop3A_245, %parallel_loop3A_242 : vector<16xi1>, vector<16xi32>
      scf.yield %parallel_loop3A_251, %parallel_loop3A_258, %parallel_loop3A_265, %parallel_loop3A_272, %parallel_loop3A_279, %parallel_loop3A_286, %parallel_loop3A_293, %parallel_loop3A_300, %parallel_loop3A_252, %parallel_loop3A_259, %parallel_loop3A_266, %parallel_loop3A_273, %parallel_loop3A_280, %parallel_loop3A_287, %parallel_loop3A_294, %parallel_loop3A_301 : vector<16xf32>, vector<16xf32>, vector<16xf32>, vector<16xf32>, vector<16xf32>, vector<16xf32>, vector<16xf32>, vector<16xf32>, vector<16xi32>, vector<16xi32>, vector<16xi32>, vector<16xi32>, vector<16xi32>, vector<16xi32>, vector<16xi32>, vector<16xi32>
    } {sc.loop_unroll_factor = 2 : i64, sc.parallel_access}
    %mul3A_65 = arith.constant 128 : i32
    %mul3A_66 = vector.broadcast %mul3A_65 : i32 to vector<16xi32>
    %mul3A_67 = arith.muli %parallel_loop3A_64#8, %mul3A_66 : vector<16xi32>
    %add3A_68 = arith.constant 0 : i32
    %add3A_69 = vector.broadcast %add3A_68 : i32 to vector<16xi32>
    %add3A_70 = arith.addi %mul3A_67, %add3A_69 : vector<16xi32>
    %add3A_71 = arith.addi %add3A_70, %iota3A : vector<16xi32>
    %mul3A_72 = arith.constant 128 : i32
    %mul3A_73 = vector.broadcast %mul3A_72 : i32 to vector<16xi32>
    %mul3A_74 = arith.muli %parallel_loop3A_64#9, %mul3A_73 : vector<16xi32>
    %add3A_75 = arith.constant 16 : i32
    %add3A_76 = vector.broadcast %add3A_75 : i32 to vector<16xi32>
    %add3A_77 = arith.addi %mul3A_74, %add3A_76 : vector<16xi32>
    %add3A_78 = arith.addi %add3A_77, %iota3A : vector<16xi32>
    %mul3A_79 = arith.constant 128 : i32
    %mul3A_80 = vector.broadcast %mul3A_79 : i32 to vector<16xi32>
    %mul3A_81 = arith.muli %parallel_loop3A_64#10, %mul3A_80 : vector<16xi32>
    %add3A_82 = arith.constant 32 : i32
    %add3A_83 = vector.broadcast %add3A_82 : i32 to vector<16xi32>
    %add3A_84 = arith.addi %mul3A_81, %add3A_83 : vector<16xi32>
    %add3A_85 = arith.addi %add3A_84, %iota3A : vector<16xi32>
    %mul3A_86 = arith.constant 128 : i32
    %mul3A_87 = vector.broadcast %mul3A_86 : i32 to vector<16xi32>
    %mul3A_88 = arith.muli %parallel_loop3A_64#11, %mul3A_87 : vector<16xi32>
    %add3A_89 = arith.constant 48 : i32
    %add3A_90 = vector.broadcast %add3A_89 : i32 to vector<16xi32>
    %add3A_91 = arith.addi %mul3A_88, %add3A_90 : vector<16xi32>
    %add3A_92 = arith.addi %add3A_91, %iota3A : vector<16xi32>
    %mul3A_93 = arith.constant 128 : i32
    %mul3A_94 = vector.broadcast %mul3A_93 : i32 to vector<16xi32>
    %mul3A_95 = arith.muli %parallel_loop3A_64#12, %mul3A_94 : vector<16xi32>
    %add3A_96 = arith.constant 64 : i32
    %add3A_97 = vector.broadcast %add3A_96 : i32 to vector<16xi32>
    %add3A_98 = arith.addi %mul3A_95, %add3A_97 : vector<16xi32>
    %add3A_99 = arith.addi %add3A_98, %iota3A : vector<16xi32>
    %mul3A_100 = arith.constant 128 : i32
    %mul3A_101 = vector.broadcast %mul3A_100 : i32 to vector<16xi32>
    %mul3A_102 = arith.muli %parallel_loop3A_64#13, %mul3A_101 : vector<16xi32>
    %add3A_103 = arith.constant 80 : i32
    %add3A_104 = vector.broadcast %add3A_103 : i32 to vector<16xi32>
    %add3A_105 = arith.addi %mul3A_102, %add3A_104 : vector<16xi32>
    %add3A_106 = arith.addi %add3A_105, %iota3A : vector<16xi32>
    %mul3A_107 = arith.constant 128 : i32
    %mul3A_108 = vector.broadcast %mul3A_107 : i32 to vector<16xi32>
    %mul3A_109 = arith.muli %parallel_loop3A_64#14, %mul3A_108 : vector<16xi32>
    %add3A_110 = arith.constant 96 : i32
    %add3A_111 = vector.broadcast %add3A_110 : i32 to vector<16xi32>
    %add3A_112 = arith.addi %mul3A_109, %add3A_111 : vector<16xi32>
    %add3A_113 = arith.addi %add3A_112, %iota3A : vector<16xi32>
    %mul3A_114 = arith.constant 128 : i32
    %mul3A_115 = vector.broadcast %mul3A_114 : i32 to vector<16xi32>
    %mul3A_116 = arith.muli %parallel_loop3A_64#15, %mul3A_115 : vector<16xi32>
    %add3A_117 = arith.constant 112 : i32
    %add3A_118 = vector.broadcast %add3A_117 : i32 to vector<16xi32>
    %add3A_119 = arith.addi %mul3A_116, %add3A_118 : vector<16xi32>
    %add3A_120 = arith.addi %add3A_119, %iota3A : vector<16xi32>
    %gt3A = arith.cmpf ogt, %parallel_loop3A_64#1, %parallel_loop3A_64#0 : vector<16xf32>
    %eq3A_121 = arith.cmpf oeq, %parallel_loop3A_64#1, %parallel_loop3A_64#0 : vector<16xf32>
    %lt3A_122 = arith.cmpi slt, %add3A_78, %add3A_71 : vector<16xi32>
    %and3A_123 = arith.andi %eq3A_121, %lt3A_122 : vector<16xi1>
    %or3A = arith.ori %gt3A, %and3A_123 : vector<16xi1>
    %select_n3A_124 = arith.select %or3A, %parallel_loop3A_64#1, %parallel_loop3A_64#0 : vector<16xi1>, vector<16xf32>
    %select_n3A_125 = arith.select %or3A, %add3A_78, %add3A_71 : vector<16xi1>, vector<16xi32>
    %gt3A_126 = arith.cmpf ogt, %parallel_loop3A_64#3, %parallel_loop3A_64#2 : vector<16xf32>
    %eq3A_127 = arith.cmpf oeq, %parallel_loop3A_64#3, %parallel_loop3A_64#2 : vector<16xf32>
    %lt3A_128 = arith.cmpi slt, %add3A_92, %add3A_85 : vector<16xi32>
    %and3A_129 = arith.andi %eq3A_127, %lt3A_128 : vector<16xi1>
    %or3A_130 = arith.ori %gt3A_126, %and3A_129 : vector<16xi1>
    %select_n3A_131 = arith.select %or3A_130, %parallel_loop3A_64#3, %parallel_loop3A_64#2 : vector<16xi1>, vector<16xf32>
    %select_n3A_132 = arith.select %or3A_130, %add3A_92, %add3A_85 : vector<16xi1>, vector<16xi32>
    %gt3A_133 = arith.cmpf ogt, %parallel_loop3A_64#5, %parallel_loop3A_64#4 : vector<16xf32>
    %eq3A_134 = arith.cmpf oeq, %parallel_loop3A_64#5, %parallel_loop3A_64#4 : vector<16xf32>
    %lt3A_135 = arith.cmpi slt, %add3A_106, %add3A_99 : vector<16xi32>
    %and3A_136 = arith.andi %eq3A_134, %lt3A_135 : vector<16xi1>
    %or3A_137 = arith.ori %gt3A_133, %and3A_136 : vector<16xi1>
    %select_n3A_138 = arith.select %or3A_137, %parallel_loop3A_64#5, %parallel_loop3A_64#4 : vector<16xi1>, vector<16xf32>
    %select_n3A_139 = arith.select %or3A_137, %add3A_106, %add3A_99 : vector<16xi1>, vector<16xi32>
    %gt3A_140 = arith.cmpf ogt, %parallel_loop3A_64#7, %parallel_loop3A_64#6 : vector<16xf32>
    %eq3A_141 = arith.cmpf oeq, %parallel_loop3A_64#7, %parallel_loop3A_64#6 : vector<16xf32>
    %lt3A_142 = arith.cmpi slt, %add3A_120, %add3A_113 : vector<16xi32>
    %and3A_143 = arith.andi %eq3A_141, %lt3A_142 : vector<16xi1>
    %or3A_144 = arith.ori %gt3A_140, %and3A_143 : vector<16xi1>
    %select_n3A_145 = arith.select %or3A_144, %parallel_loop3A_64#7, %parallel_loop3A_64#6 : vector<16xi1>, vector<16xf32>
    %select_n3A_146 = arith.select %or3A_144, %add3A_120, %add3A_113 : vector<16xi1>, vector<16xi32>
    %gt3A_147 = arith.cmpf ogt, %select_n3A_131, %select_n3A_124 : vector<16xf32>
    %eq3A_148 = arith.cmpf oeq, %select_n3A_131, %select_n3A_124 : vector<16xf32>
    %lt3A_149 = arith.cmpi slt, %select_n3A_132, %select_n3A_125 : vector<16xi32>
    %and3A_150 = arith.andi %eq3A_148, %lt3A_149 : vector<16xi1>
    %or3A_151 = arith.ori %gt3A_147, %and3A_150 : vector<16xi1>
    %select_n3A_152 = arith.select %or3A_151, %select_n3A_131, %select_n3A_124 : vector<16xi1>, vector<16xf32>
    %select_n3A_153 = arith.select %or3A_151, %select_n3A_132, %select_n3A_125 : vector<16xi1>, vector<16xi32>
    %gt3A_154 = arith.cmpf ogt, %select_n3A_145, %select_n3A_138 : vector<16xf32>
    %eq3A_155 = arith.cmpf oeq, %select_n3A_145, %select_n3A_138 : vector<16xf32>
    %lt3A_156 = arith.cmpi slt, %select_n3A_146, %select_n3A_139 : vector<16xi32>
    %and3A_157 = arith.andi %eq3A_155, %lt3A_156 : vector<16xi1>
    %or3A_158 = arith.ori %gt3A_154, %and3A_157 : vector<16xi1>
    %select_n3A_159 = arith.select %or3A_158, %select_n3A_145, %select_n3A_138 : vector<16xi1>, vector<16xf32>
    %select_n3A_160 = arith.select %or3A_158, %select_n3A_146, %select_n3A_139 : vector<16xi1>, vector<16xi32>
    %gt3A_161 = arith.cmpf ogt, %select_n3A_159, %select_n3A_152 : vector<16xf32>
    %eq3A_162 = arith.cmpf oeq, %select_n3A_159, %select_n3A_152 : vector<16xf32>
    %lt3A_163 = arith.cmpi slt, %select_n3A_160, %select_n3A_153 : vector<16xi32>
    %and3A_164 = arith.andi %eq3A_162, %lt3A_163 : vector<16xi1>
    %or3A_165 = arith.ori %gt3A_161, %and3A_164 : vector<16xi1>
    %select_n3A_166 = arith.select %or3A_165, %select_n3A_159, %select_n3A_152 : vector<16xi1>, vector<16xf32>
    %select_n3A_167 = arith.select %or3A_165, %select_n3A_160, %select_n3A_153 : vector<16xi1>, vector<16xi32>
    %reduce_max3A = arith.constant true
    %reduce_max3A_168 = vector.broadcast %reduce_max3A : i1 to vector<16xi1>
    %reduce_max3A_169 = tpu.scan <max>, %select_n3A_166 masked %reduce_max3A_168 : vector<16xf32>, vector<16xi1> -> vector<16xf32>
    %reduce_max3A_170 = vector.extract %reduce_max3A_169[15] : f32 from vector<16xf32>
    %eq3A_171 = vector.broadcast %reduce_max3A_170 : f32 to vector<16xf32>
    %eq3A_172 = arith.cmpf oeq, %select_n3A_166, %eq3A_171 : vector<16xf32>
    %jit3A_173 = arith.constant 2147483647 : i32
    %broadcast_in_dim3A_174 = vector.broadcast %jit3A_173 : i32 to vector<16xi32>
    %select_n3A_175 = arith.select %eq3A_172, %select_n3A_167, %broadcast_in_dim3A_174 : vector<16xi1>, vector<16xi32>
    %reduce_min3A = arith.constant true
    %reduce_min3A_176 = vector.broadcast %reduce_min3A : i1 to vector<16xi1>
    %reduce_min3A_177 = arith.constant -2147483648 : i32
    %reduce_min3A_178 = vector.broadcast %reduce_min3A_177 : i32 to vector<16xi32>
    %reduce_min3A_179 = arith.xori %select_n3A_175, %reduce_min3A_178 : vector<16xi32>
    %reduce_min3A_180 = tpu.scan <min>, %reduce_min3A_179 masked %reduce_min3A_176 : vector<16xi32>, vector<16xi1> -> vector<16xi32>
    %reduce_min3A_181 = arith.xori %reduce_min3A_180, %reduce_min3A_178 : vector<16xi32>
    %reduce_min3A_182 = vector.extract %reduce_min3A_181[15] : i32 from vector<16xi32>
    %ge3A = arith.constant 5.000000e-01 : f32
    %ge3A_183 = arith.cmpf oge, %reduce_max3A_170, %ge3A : f32
    %jit3A_184 = arith.constant -1 : i32
    %select_n3A_185 = arith.select %ge3A_183, %reduce_min3A_182, %jit3A_184 : i32
    %add3A_186 = arith.constant 0 : i32
    %add3A_187 = arith.addi %select_n3A_24, %add3A_186 : i32
    %eq3A_188 = vector.broadcast %add3A_187 : i32 to vector<16xi32>
    %eq3A_189 = arith.cmpi eq, %iota3A, %eq3A_188 : vector<16xi32>
    %broadcast_in_dim3A_190 = vector.broadcast %select_n3A_185 : i32 to vector<16xi32>
    %select_n3A_191 = arith.select %eq3A_189, %broadcast_in_dim3A_190, %broadcast_in_dim3A_12 : vector<16xi1>, vector<16xi32>
    %swap3A = arith.constant 0 : index
    %swap3A_192 = tpu.vector_load %arg6[%swap3A] {strides = array<i32>} : memref<16xi32, #tpu.memory_space<vmem>>, vector<16xi32>,
    tpu.vector_store %arg6[%swap3A], %select_n3A_191 {strides = array<i32>} : memref<16xi32, #tpu.memory_space<vmem>>, vector<16xi32>,
    %barrier3A = arith.constant 0 : index
    tpu.barrier barrier_id(%barrier3A)
    %mul3A_193 = arith.constant 1 : i32
    %mul3A_194 = arith.muli %mul3A_193, %arg1 : i32
    %jit3A_195 = arith.constant 16 : i32
    %div3A = arith.divsi %mul3A_194, %jit3A_195 : i32
    %sign3A = arith.constant 0 : i32
    %sign3A_196 = arith.cmpi sgt, %mul3A_194, %sign3A : i32
    %sign3A_197 = arith.extui %sign3A_196 : i1 to i32
    %sign3A_198 = arith.constant 0 : i32
    %sign3A_199 = arith.cmpi slt, %mul3A_194, %sign3A_198 : i32
    %sign3A_200 = arith.extui %sign3A_199 : i1 to i32
    %sign3A_201 = arith.subi %sign3A_197, %sign3A_200 : i32
    %sign3A_202 = arith.constant 0 : i32
    %sign3A_203 = arith.cmpi sgt, %jit3A_195, %sign3A_202 : i32
    %sign3A_204 = arith.extui %sign3A_203 : i1 to i32
    %sign3A_205 = arith.constant 0 : i32
    %sign3A_206 = arith.cmpi slt, %jit3A_195, %sign3A_205 : i32
    %sign3A_207 = arith.extui %sign3A_206 : i1 to i32
    %sign3A_208 = arith.subi %sign3A_204, %sign3A_207 : i32
    %ne3A_209 = arith.cmpi ne, %sign3A_201, %sign3A_208 : i32
    %rem3A_210 = arith.remsi %mul3A_194, %jit3A_195 : i32
    %ne3A_211 = arith.constant 0 : i32
    %ne3A_212 = arith.cmpi ne, %rem3A_210, %ne3A_211 : i32
    %and3A_213 = arith.andi %ne3A_209, %ne3A_212 : i1
    %sub3A = arith.constant 1 : i32
    %sub3A_214 = arith.subi %div3A, %sub3A : i32
    %select_n3A_215 = arith.select %and3A_213, %sub3A_214, %div3A : i32
    %mul3A_216 = arith.constant 16 : i32
    %mul3A_217 = arith.muli %mul3A_216, %select_n3A_215 : i32
    %add3A_218 = vector.broadcast %mul3A_217 : i32 to vector<16xi32>
    %add3A_219 = arith.addi %add3A_218, %iota3A : vector<16xi32>
    "tpu.region"() ({
      %run_scoped3A = tpu.sem_alloc : memref<!tpu.dma_semaphore, #tpu.memory_space<semaphore_mem>>
      %dma_start3A_226 = arith.constant 0 : i32
      %dma_start3A_227 = tpu.memref_slice %arg8[%dma_start3A_226] : memref<16xi32, #tpu.memory_space<vmem_shared>> -> memref<16xi32, #tpu.memory_space<vmem_shared>>
      tpu.enqueue_indirect_dma source(%arg6 : memref<16xi32, #tpu.memory_space<vmem>>) target(%dma_start3A_227 : memref<16xi32, #tpu.memory_space<vmem_shared>>) offsets(%add3A_219 : vector<16xi32>) semaphore(%run_scoped3A : memref<!tpu.dma_semaphore, #tpu.memory_space<semaphore_mem>>) {add = true}
      %dma_wait3A_228 = arith.constant 0 : i32
      %dma_wait3A_229 = tpu.memref_slice %arg8[%dma_wait3A_228] : memref<16xi32, #tpu.memory_space<vmem_shared>> -> memref<16xi32, #tpu.memory_space<vmem_shared>>
      tpu.wait_indirect_dma semaphore(%run_scoped3A : memref<!tpu.dma_semaphore, #tpu.memory_space<semaphore_mem>>) src(%arg6 : memref<16xi32, #tpu.memory_space<vmem>>) dst(%dma_wait3A_229 : memref<16xi32, #tpu.memory_space<vmem_shared>>)
      tpu.yield
    }) : () -> ()
    %barrier3A_220 = arith.constant 0 : index
    tpu.barrier barrier_id(%barrier3A_220)
    %eq3A_221 = arith.constant 0 : i32
    %eq3A_222 = arith.cmpi eq, %arg1, %eq3A_221 : i32
    %convert_element_type3A_223 = arith.extui %eq3A_222 : i1 to i32
    %cond3A_224 = arith.constant 0 : i32
    %cond3A_225 = arith.cmpi ne, %convert_element_type3A_223, %cond3A_224 : i32
    scf.if %cond3A_225 {
      "tpu.region"() ({
        %run_scoped3A = tpu.sem_alloc : memref<!tpu.dma_semaphore, #tpu.memory_space<semaphore_mem>>
        %dma_start3A_226 = arith.constant 0 : i32
        %dma_start3A_227 = tpu.memref_slice %arg3[%arg0, %dma_start3A_226] : memref<2x16xi32, #tpu.memory_space<hbm>> -> memref<1x16xi32, #tpu.memory_space<hbm>>
        %dma_start3A_228 = tpu.memref_squeeze %dma_start3A_227 : memref<1x16xi32, #tpu.memory_space<hbm>> -> memref<16xi32, #tpu.memory_space<hbm>>
        tpu.enqueue_dma source(%arg8 : memref<16xi32, #tpu.memory_space<vmem_shared>>) target(%dma_start3A_228 : memref<16xi32, #tpu.memory_space<hbm>>) target_semaphore(%run_scoped3A : memref<!tpu.dma_semaphore, #tpu.memory_space<semaphore_mem>>)
        %dma_wait3A_229 = arith.constant 0 : i32
        %dma_wait3A_230 = tpu.memref_slice %arg3[%arg0, %dma_wait3A_229] : memref<2x16xi32, #tpu.memory_space<hbm>> -> memref<1x16xi32, #tpu.memory_space<hbm>>
        %dma_wait3A_231 = tpu.memref_squeeze %dma_wait3A_230 : memref<1x16xi32, #tpu.memory_space<hbm>> -> memref<16xi32, #tpu.memory_space<hbm>>
        tpu.wait_dma2 semaphore(%run_scoped3A : memref<!tpu.dma_semaphore, #tpu.memory_space<semaphore_mem>>) src(%arg8 : memref<16xi32, #tpu.memory_space<vmem_shared>>) dst(%dma_wait3A_231 : memref<16xi32, #tpu.memory_space<hbm>>)
        tpu.yield
      }) : () -> ()
    } else {
    }
    return
  }
}

module attributes {stable_mosaic.version = 14 : i64} {
  func.func @_tc_block_kernel(%arg0: i32, %arg1: memref<8x32768xf32, #tpu.memory_space<vmem>>, %arg2: memref<1x1x8xi32, #tpu.memory_space<vmem>>) attributes {dimension_semantics = [#tpu.dimension_semantics<arbitrary>], iteration_bounds = array<i64: 12>, scalar_prefetch = 0 : i64, scratch_operands = 0 : i64, tpu.core_type = #tpu.core_type<tc>, window_params = [{transform_indices = @transform_0, window_bounds = array<i64: 8, 32768>}, {transform_indices = @transform_1, window_bounds = array<i64: 1, 1, 8>}]} {
    %iota3A = tpu.iota {dimensions = array<i32: 1>} : vector<8x128xi32>
    %broadcast_in_dim3A = arith.constant 0xFF800000 : f32
    %broadcast_in_dim3A_0 = vector.broadcast %broadcast_in_dim3A : f32 to vector<8x128xf32>
    %broadcast_in_dim3A_1 = arith.constant 0xFF800000 : f32
    %broadcast_in_dim3A_2 = vector.broadcast %broadcast_in_dim3A_1 : f32 to vector<8x128xf32>
    %broadcast_in_dim3A_3 = arith.constant 0xFF800000 : f32
    %broadcast_in_dim3A_4 = vector.broadcast %broadcast_in_dim3A_3 : f32 to vector<8x128xf32>
    %broadcast_in_dim3A_5 = arith.constant 0xFF800000 : f32
    %broadcast_in_dim3A_6 = vector.broadcast %broadcast_in_dim3A_5 : f32 to vector<8x128xf32>
    %broadcast_in_dim3A_7 = arith.constant 0xFF800000 : f32
    %broadcast_in_dim3A_8 = vector.broadcast %broadcast_in_dim3A_7 : f32 to vector<8x128xf32>
    %broadcast_in_dim3A_9 = arith.constant 0xFF800000 : f32
    %broadcast_in_dim3A_10 = vector.broadcast %broadcast_in_dim3A_9 : f32 to vector<8x128xf32>
    %broadcast_in_dim3A_11 = arith.constant 0xFF800000 : f32
    %broadcast_in_dim3A_12 = vector.broadcast %broadcast_in_dim3A_11 : f32 to vector<8x128xf32>
    %broadcast_in_dim3A_13 = arith.constant 0xFF800000 : f32
    %broadcast_in_dim3A_14 = vector.broadcast %broadcast_in_dim3A_13 : f32 to vector<8x128xf32>
    %broadcast_in_dim3A_15 = arith.constant 0 : i32
    %broadcast_in_dim3A_16 = vector.broadcast %broadcast_in_dim3A_15 : i32 to vector<8x128xi32>
    %broadcast_in_dim3A_17 = arith.constant 0 : i32
    %broadcast_in_dim3A_18 = vector.broadcast %broadcast_in_dim3A_17 : i32 to vector<8x128xi32>
    %broadcast_in_dim3A_19 = arith.constant 0 : i32
    %broadcast_in_dim3A_20 = vector.broadcast %broadcast_in_dim3A_19 : i32 to vector<8x128xi32>
    %broadcast_in_dim3A_21 = arith.constant 0 : i32
    %broadcast_in_dim3A_22 = vector.broadcast %broadcast_in_dim3A_21 : i32 to vector<8x128xi32>
    %broadcast_in_dim3A_23 = arith.constant 0 : i32
    %broadcast_in_dim3A_24 = vector.broadcast %broadcast_in_dim3A_23 : i32 to vector<8x128xi32>
    %broadcast_in_dim3A_25 = arith.constant 0 : i32
    %broadcast_in_dim3A_26 = vector.broadcast %broadcast_in_dim3A_25 : i32 to vector<8x128xi32>
    %broadcast_in_dim3A_27 = arith.constant 0 : i32
    %broadcast_in_dim3A_28 = vector.broadcast %broadcast_in_dim3A_27 : i32 to vector<8x128xi32>
    %broadcast_in_dim3A_29 = arith.constant 0 : i32
    %broadcast_in_dim3A_30 = vector.broadcast %broadcast_in_dim3A_29 : i32 to vector<8x128xi32>
    %broadcast_in_dim3A_31 = arith.constant 0 : i32
    %broadcast_in_dim3A_32 = vector.broadcast %broadcast_in_dim3A_31 : i32 to vector<8x128xi32>
    %get3A = arith.constant 0 : index
    %get3A_33 = arith.constant 0 : index
    %get3A_34 = vector.load %arg1[%get3A, %get3A_33] : memref<8x32768xf32, #tpu.memory_space<vmem>>, vector<8x128xf32>
    %gt3A = arith.cmpf ogt, %get3A_34, %broadcast_in_dim3A_0 : vector<8x128xf32>
    %max3A = arith.maximumf %get3A_34, %broadcast_in_dim3A_0 : vector<8x128xf32>
    %select_n3A = arith.select %gt3A, %broadcast_in_dim3A_32, %broadcast_in_dim3A_16 : vector<8x128xi1>, vector<8x128xi32>
    %get3A_35 = arith.constant 0 : index
    %get3A_36 = arith.constant 128 : index
    %get3A_37 = vector.load %arg1[%get3A_35, %get3A_36] : memref<8x32768xf32, #tpu.memory_space<vmem>>, vector<8x128xf32>
    %gt3A_38 = arith.cmpf ogt, %get3A_37, %broadcast_in_dim3A_2 : vector<8x128xf32>
    %max3A_39 = arith.maximumf %get3A_37, %broadcast_in_dim3A_2 : vector<8x128xf32>
    %select_n3A_40 = arith.select %gt3A_38, %broadcast_in_dim3A_32, %broadcast_in_dim3A_18 : vector<8x128xi1>, vector<8x128xi32>
    %get3A_41 = arith.constant 0 : index
    %get3A_42 = arith.constant 256 : index
    %get3A_43 = vector.load %arg1[%get3A_41, %get3A_42] : memref<8x32768xf32, #tpu.memory_space<vmem>>, vector<8x128xf32>
    %gt3A_44 = arith.cmpf ogt, %get3A_43, %broadcast_in_dim3A_4 : vector<8x128xf32>
    %max3A_45 = arith.maximumf %get3A_43, %broadcast_in_dim3A_4 : vector<8x128xf32>
    %select_n3A_46 = arith.select %gt3A_44, %broadcast_in_dim3A_32, %broadcast_in_dim3A_20 : vector<8x128xi1>, vector<8x128xi32>
    %get3A_47 = arith.constant 0 : index
    %get3A_48 = arith.constant 384 : index
    %get3A_49 = vector.load %arg1[%get3A_47, %get3A_48] : memref<8x32768xf32, #tpu.memory_space<vmem>>, vector<8x128xf32>
    %gt3A_50 = arith.cmpf ogt, %get3A_49, %broadcast_in_dim3A_6 : vector<8x128xf32>
    %max3A_51 = arith.maximumf %get3A_49, %broadcast_in_dim3A_6 : vector<8x128xf32>
    %select_n3A_52 = arith.select %gt3A_50, %broadcast_in_dim3A_32, %broadcast_in_dim3A_22 : vector<8x128xi1>, vector<8x128xi32>
    %get3A_53 = arith.constant 0 : index
    %get3A_54 = arith.constant 512 : index
    %get3A_55 = vector.load %arg1[%get3A_53, %get3A_54] : memref<8x32768xf32, #tpu.memory_space<vmem>>, vector<8x128xf32>
    %gt3A_56 = arith.cmpf ogt, %get3A_55, %broadcast_in_dim3A_8 : vector<8x128xf32>
    %max3A_57 = arith.maximumf %get3A_55, %broadcast_in_dim3A_8 : vector<8x128xf32>
    %select_n3A_58 = arith.select %gt3A_56, %broadcast_in_dim3A_32, %broadcast_in_dim3A_24 : vector<8x128xi1>, vector<8x128xi32>
    %get3A_59 = arith.constant 0 : index
    %get3A_60 = arith.constant 640 : index
    %get3A_61 = vector.load %arg1[%get3A_59, %get3A_60] : memref<8x32768xf32, #tpu.memory_space<vmem>>, vector<8x128xf32>
    %gt3A_62 = arith.cmpf ogt, %get3A_61, %broadcast_in_dim3A_10 : vector<8x128xf32>
    %max3A_63 = arith.maximumf %get3A_61, %broadcast_in_dim3A_10 : vector<8x128xf32>
    %select_n3A_64 = arith.select %gt3A_62, %broadcast_in_dim3A_32, %broadcast_in_dim3A_26 : vector<8x128xi1>, vector<8x128xi32>
    %get3A_65 = arith.constant 0 : index
    %get3A_66 = arith.constant 768 : index
    %get3A_67 = vector.load %arg1[%get3A_65, %get3A_66] : memref<8x32768xf32, #tpu.memory_space<vmem>>, vector<8x128xf32>
    %gt3A_68 = arith.cmpf ogt, %get3A_67, %broadcast_in_dim3A_12 : vector<8x128xf32>
    %max3A_69 = arith.maximumf %get3A_67, %broadcast_in_dim3A_12 : vector<8x128xf32>
    %select_n3A_70 = arith.select %gt3A_68, %broadcast_in_dim3A_32, %broadcast_in_dim3A_28 : vector<8x128xi1>, vector<8x128xi32>
    %get3A_71 = arith.constant 0 : index
    %get3A_72 = arith.constant 896 : index
    %get3A_73 = vector.load %arg1[%get3A_71, %get3A_72] : memref<8x32768xf32, #tpu.memory_space<vmem>>, vector<8x128xf32>
    %gt3A_74 = arith.cmpf ogt, %get3A_73, %broadcast_in_dim3A_14 : vector<8x128xf32>
    %max3A_75 = arith.maximumf %get3A_73, %broadcast_in_dim3A_14 : vector<8x128xf32>
    %select_n3A_76 = arith.select %gt3A_74, %broadcast_in_dim3A_32, %broadcast_in_dim3A_30 : vector<8x128xi1>, vector<8x128xi32>
    %broadcast_in_dim3A_77 = arith.constant 1 : i32
    %broadcast_in_dim3A_78 = vector.broadcast %broadcast_in_dim3A_77 : i32 to vector<8x128xi32>
    %get3A_79 = arith.constant 0 : index
    %get3A_80 = arith.constant 1024 : index
    %get3A_81 = vector.load %arg1[%get3A_79, %get3A_80] : memref<8x32768xf32, #tpu.memory_space<vmem>>, vector<8x128xf32>
    %gt3A_82 = arith.cmpf ogt, %get3A_81, %max3A : vector<8x128xf32>
    %max3A_83 = arith.maximumf %get3A_81, %max3A : vector<8x128xf32>
    %select_n3A_84 = arith.select %gt3A_82, %broadcast_in_dim3A_78, %select_n3A : vector<8x128xi1>, vector<8x128xi32>
    %get3A_85 = arith.constant 0 : index
    %get3A_86 = arith.constant 1152 : index
    %get3A_87 = vector.load %arg1[%get3A_85, %get3A_86] : memref<8x32768xf32, #tpu.memory_space<vmem>>, vector<8x128xf32>
    %gt3A_88 = arith.cmpf ogt, %get3A_87, %max3A_39 : vector<8x128xf32>
    %max3A_89 = arith.maximumf %get3A_87, %max3A_39 : vector<8x128xf32>
    %select_n3A_90 = arith.select %gt3A_88, %broadcast_in_dim3A_78, %select_n3A_40 : vector<8x128xi1>, vector<8x128xi32>
    %get3A_91 = arith.constant 0 : index
    %get3A_92 = arith.constant 1280 : index
    %get3A_93 = vector.load %arg1[%get3A_91, %get3A_92] : memref<8x32768xf32, #tpu.memory_space<vmem>>, vector<8x128xf32>
    %gt3A_94 = arith.cmpf ogt, %get3A_93, %max3A_45 : vector<8x128xf32>
    %max3A_95 = arith.maximumf %get3A_93, %max3A_45 : vector<8x128xf32>
    %select_n3A_96 = arith.select %gt3A_94, %broadcast_in_dim3A_78, %select_n3A_46 : vector<8x128xi1>, vector<8x128xi32>
    %get3A_97 = arith.constant 0 : index
    %get3A_98 = arith.constant 1408 : index
    %get3A_99 = vector.load %arg1[%get3A_97, %get3A_98] : memref<8x32768xf32, #tpu.memory_space<vmem>>, vector<8x128xf32>
    %gt3A_100 = arith.cmpf ogt, %get3A_99, %max3A_51 : vector<8x128xf32>
    %max3A_101 = arith.maximumf %get3A_99, %max3A_51 : vector<8x128xf32>
    %select_n3A_102 = arith.select %gt3A_100, %broadcast_in_dim3A_78, %select_n3A_52 : vector<8x128xi1>, vector<8x128xi32>
    %get3A_103 = arith.constant 0 : index
    %get3A_104 = arith.constant 1536 : index
    %get3A_105 = vector.load %arg1[%get3A_103, %get3A_104] : memref<8x32768xf32, #tpu.memory_space<vmem>>, vector<8x128xf32>
    %gt3A_106 = arith.cmpf ogt, %get3A_105, %max3A_57 : vector<8x128xf32>
    %max3A_107 = arith.maximumf %get3A_105, %max3A_57 : vector<8x128xf32>
    %select_n3A_108 = arith.select %gt3A_106, %broadcast_in_dim3A_78, %select_n3A_58 : vector<8x128xi1>, vector<8x128xi32>
    %get3A_109 = arith.constant 0 : index
    %get3A_110 = arith.constant 1664 : index
    %get3A_111 = vector.load %arg1[%get3A_109, %get3A_110] : memref<8x32768xf32, #tpu.memory_space<vmem>>, vector<8x128xf32>
    %gt3A_112 = arith.cmpf ogt, %get3A_111, %max3A_63 : vector<8x128xf32>
    %max3A_113 = arith.maximumf %get3A_111, %max3A_63 : vector<8x128xf32>
    %select_n3A_114 = arith.select %gt3A_112, %broadcast_in_dim3A_78, %select_n3A_64 : vector<8x128xi1>, vector<8x128xi32>
    %get3A_115 = arith.constant 0 : index
    %get3A_116 = arith.constant 1792 : index
    %get3A_117 = vector.load %arg1[%get3A_115, %get3A_116] : memref<8x32768xf32, #tpu.memory_space<vmem>>, vector<8x128xf32>
    %gt3A_118 = arith.cmpf ogt, %get3A_117, %max3A_69 : vector<8x128xf32>
    %max3A_119 = arith.maximumf %get3A_117, %max3A_69 : vector<8x128xf32>
    %select_n3A_120 = arith.select %gt3A_118, %broadcast_in_dim3A_78, %select_n3A_70 : vector<8x128xi1>, vector<8x128xi32>
    %get3A_121 = arith.constant 0 : index
    %get3A_122 = arith.constant 1920 : index
    %get3A_123 = vector.load %arg1[%get3A_121, %get3A_122] : memref<8x32768xf32, #tpu.memory_space<vmem>>, vector<8x128xf32>
    %gt3A_124 = arith.cmpf ogt, %get3A_123, %max3A_75 : vector<8x128xf32>
    %max3A_125 = arith.maximumf %get3A_123, %max3A_75 : vector<8x128xf32>
    %select_n3A_126 = arith.select %gt3A_124, %broadcast_in_dim3A_78, %select_n3A_76 : vector<8x128xi1>, vector<8x128xi32>
    %broadcast_in_dim3A_127 = arith.constant 2 : i32
    %broadcast_in_dim3A_128 = vector.broadcast %broadcast_in_dim3A_127 : i32 to vector<8x128xi32>
    %get3A_129 = arith.constant 0 : index
    %get3A_130 = arith.constant 2048 : index
    %get3A_131 = vector.load %arg1[%get3A_129, %get3A_130] : memref<8x32768xf32, #tpu.memory_space<vmem>>, vector<8x128xf32>
    %gt3A_132 = arith.cmpf ogt, %get3A_131, %max3A_83 : vector<8x128xf32>
    %max3A_133 = arith.maximumf %get3A_131, %max3A_83 : vector<8x128xf32>
    %select_n3A_134 = arith.select %gt3A_132, %broadcast_in_dim3A_128, %select_n3A_84 : vector<8x128xi1>, vector<8x128xi32>
    %get3A_135 = arith.constant 0 : index
    %get3A_136 = arith.constant 2176 : index
    %get3A_137 = vector.load %arg1[%get3A_135, %get3A_136] : memref<8x32768xf32, #tpu.memory_space<vmem>>, vector<8x128xf32>
    %gt3A_138 = arith.cmpf ogt, %get3A_137, %max3A_89 : vector<8x128xf32>
    %max3A_139 = arith.maximumf %get3A_137, %max3A_89 : vector<8x128xf32>
    %select_n3A_140 = arith.select %gt3A_138, %broadcast_in_dim3A_128, %select_n3A_90 : vector<8x128xi1>, vector<8x128xi32>
    %get3A_141 = arith.constant 0 : index
    %get3A_142 = arith.constant 2304 : index
    %get3A_143 = vector.load %arg1[%get3A_141, %get3A_142] : memref<8x32768xf32, #tpu.memory_space<vmem>>, vector<8x128xf32>
    %gt3A_144 = arith.cmpf ogt, %get3A_143, %max3A_95 : vector<8x128xf32>
    %max3A_145 = arith.maximumf %get3A_143, %max3A_95 : vector<8x128xf32>
    %select_n3A_146 = arith.select %gt3A_144, %broadcast_in_dim3A_128, %select_n3A_96 : vector<8x128xi1>, vector<8x128xi32>
    %get3A_147 = arith.constant 0 : index
    %get3A_148 = arith.constant 2432 : index
    %get3A_149 = vector.load %arg1[%get3A_147, %get3A_148] : memref<8x32768xf32, #tpu.memory_space<vmem>>, vector<8x128xf32>
    %gt3A_150 = arith.cmpf ogt, %get3A_149, %max3A_101 : vector<8x128xf32>
    %max3A_151 = arith.maximumf %get3A_149, %max3A_101 : vector<8x128xf32>
    %select_n3A_152 = arith.select %gt3A_150, %broadcast_in_dim3A_128, %select_n3A_102 : vector<8x128xi1>, vector<8x128xi32>
    %get3A_153 = arith.constant 0 : index
    %get3A_154 = arith.constant 2560 : index
    %get3A_155 = vector.load %arg1[%get3A_153, %get3A_154] : memref<8x32768xf32, #tpu.memory_space<vmem>>, vector<8x128xf32>
    %gt3A_156 = arith.cmpf ogt, %get3A_155, %max3A_107 : vector<8x128xf32>
    %max3A_157 = arith.maximumf %get3A_155, %max3A_107 : vector<8x128xf32>
    %select_n3A_158 = arith.select %gt3A_156, %broadcast_in_dim3A_128, %select_n3A_108 : vector<8x128xi1>, vector<8x128xi32>
    %get3A_159 = arith.constant 0 : index
    %get3A_160 = arith.constant 2688 : index
    %get3A_161 = vector.load %arg1[%get3A_159, %get3A_160] : memref<8x32768xf32, #tpu.memory_space<vmem>>, vector<8x128xf32>
    %gt3A_162 = arith.cmpf ogt, %get3A_161, %max3A_113 : vector<8x128xf32>
    %max3A_163 = arith.maximumf %get3A_161, %max3A_113 : vector<8x128xf32>
    %select_n3A_164 = arith.select %gt3A_162, %broadcast_in_dim3A_128, %select_n3A_114 : vector<8x128xi1>, vector<8x128xi32>
    %get3A_165 = arith.constant 0 : index
    %get3A_166 = arith.constant 2816 : index
    %get3A_167 = vector.load %arg1[%get3A_165, %get3A_166] : memref<8x32768xf32, #tpu.memory_space<vmem>>, vector<8x128xf32>
    %gt3A_168 = arith.cmpf ogt, %get3A_167, %max3A_119 : vector<8x128xf32>
    %max3A_169 = arith.maximumf %get3A_167, %max3A_119 : vector<8x128xf32>
    %select_n3A_170 = arith.select %gt3A_168, %broadcast_in_dim3A_128, %select_n3A_120 : vector<8x128xi1>, vector<8x128xi32>
    %get3A_171 = arith.constant 0 : index
    %get3A_172 = arith.constant 2944 : index
    %get3A_173 = vector.load %arg1[%get3A_171, %get3A_172] : memref<8x32768xf32, #tpu.memory_space<vmem>>, vector<8x128xf32>
    %gt3A_174 = arith.cmpf ogt, %get3A_173, %max3A_125 : vector<8x128xf32>
    %max3A_175 = arith.maximumf %get3A_173, %max3A_125 : vector<8x128xf32>
    %select_n3A_176 = arith.select %gt3A_174, %broadcast_in_dim3A_128, %select_n3A_126 : vector<8x128xi1>, vector<8x128xi32>
    %broadcast_in_dim3A_177 = arith.constant 3 : i32
    %broadcast_in_dim3A_178 = vector.broadcast %broadcast_in_dim3A_177 : i32 to vector<8x128xi32>
    %get3A_179 = arith.constant 0 : index
    %get3A_180 = arith.constant 3072 : index
    %get3A_181 = vector.load %arg1[%get3A_179, %get3A_180] : memref<8x32768xf32, #tpu.memory_space<vmem>>, vector<8x128xf32>
    %gt3A_182 = arith.cmpf ogt, %get3A_181, %max3A_133 : vector<8x128xf32>
    %max3A_183 = arith.maximumf %get3A_181, %max3A_133 : vector<8x128xf32>
    %select_n3A_184 = arith.select %gt3A_182, %broadcast_in_dim3A_178, %select_n3A_134 : vector<8x128xi1>, vector<8x128xi32>
    %get3A_185 = arith.constant 0 : index
    %get3A_186 = arith.constant 3200 : index
    %get3A_187 = vector.load %arg1[%get3A_185, %get3A_186] : memref<8x32768xf32, #tpu.memory_space<vmem>>, vector<8x128xf32>
    %gt3A_188 = arith.cmpf ogt, %get3A_187, %max3A_139 : vector<8x128xf32>
    %max3A_189 = arith.maximumf %get3A_187, %max3A_139 : vector<8x128xf32>
    %select_n3A_190 = arith.select %gt3A_188, %broadcast_in_dim3A_178, %select_n3A_140 : vector<8x128xi1>, vector<8x128xi32>
    %get3A_191 = arith.constant 0 : index
    %get3A_192 = arith.constant 3328 : index
    %get3A_193 = vector.load %arg1[%get3A_191, %get3A_192] : memref<8x32768xf32, #tpu.memory_space<vmem>>, vector<8x128xf32>
    %gt3A_194 = arith.cmpf ogt, %get3A_193, %max3A_145 : vector<8x128xf32>
    %max3A_195 = arith.maximumf %get3A_193, %max3A_145 : vector<8x128xf32>
    %select_n3A_196 = arith.select %gt3A_194, %broadcast_in_dim3A_178, %select_n3A_146 : vector<8x128xi1>, vector<8x128xi32>
    %get3A_197 = arith.constant 0 : index
    %get3A_198 = arith.constant 3456 : index
    %get3A_199 = vector.load %arg1[%get3A_197, %get3A_198] : memref<8x32768xf32, #tpu.memory_space<vmem>>, vector<8x128xf32>
    %gt3A_200 = arith.cmpf ogt, %get3A_199, %max3A_151 : vector<8x128xf32>
    %max3A_201 = arith.maximumf %get3A_199, %max3A_151 : vector<8x128xf32>
    %select_n3A_202 = arith.select %gt3A_200, %broadcast_in_dim3A_178, %select_n3A_152 : vector<8x128xi1>, vector<8x128xi32>
    %get3A_203 = arith.constant 0 : index
    %get3A_204 = arith.constant 3584 : index
    %get3A_205 = vector.load %arg1[%get3A_203, %get3A_204] : memref<8x32768xf32, #tpu.memory_space<vmem>>, vector<8x128xf32>
    %gt3A_206 = arith.cmpf ogt, %get3A_205, %max3A_157 : vector<8x128xf32>
    %max3A_207 = arith.maximumf %get3A_205, %max3A_157 : vector<8x128xf32>
    %select_n3A_208 = arith.select %gt3A_206, %broadcast_in_dim3A_178, %select_n3A_158 : vector<8x128xi1>, vector<8x128xi32>
    %get3A_209 = arith.constant 0 : index
    %get3A_210 = arith.constant 3712 : index
    %get3A_211 = vector.load %arg1[%get3A_209, %get3A_210] : memref<8x32768xf32, #tpu.memory_space<vmem>>, vector<8x128xf32>
    %gt3A_212 = arith.cmpf ogt, %get3A_211, %max3A_163 : vector<8x128xf32>
    %max3A_213 = arith.maximumf %get3A_211, %max3A_163 : vector<8x128xf32>
    %select_n3A_214 = arith.select %gt3A_212, %broadcast_in_dim3A_178, %select_n3A_164 : vector<8x128xi1>, vector<8x128xi32>
    %get3A_215 = arith.constant 0 : index
    %get3A_216 = arith.constant 3840 : index
    %get3A_217 = vector.load %arg1[%get3A_215, %get3A_216] : memref<8x32768xf32, #tpu.memory_space<vmem>>, vector<8x128xf32>
    %gt3A_218 = arith.cmpf ogt, %get3A_217, %max3A_169 : vector<8x128xf32>
    %max3A_219 = arith.maximumf %get3A_217, %max3A_169 : vector<8x128xf32>
    %select_n3A_220 = arith.select %gt3A_218, %broadcast_in_dim3A_178, %select_n3A_170 : vector<8x128xi1>, vector<8x128xi32>
    %get3A_221 = arith.constant 0 : index
    %get3A_222 = arith.constant 3968 : index
    %get3A_223 = vector.load %arg1[%get3A_221, %get3A_222] : memref<8x32768xf32, #tpu.memory_space<vmem>>, vector<8x128xf32>
    %gt3A_224 = arith.cmpf ogt, %get3A_223, %max3A_175 : vector<8x128xf32>
    %max3A_225 = arith.maximumf %get3A_223, %max3A_175 : vector<8x128xf32>
    %select_n3A_226 = arith.select %gt3A_224, %broadcast_in_dim3A_178, %select_n3A_176 : vector<8x128xi1>, vector<8x128xi32>
    %broadcast_in_dim3A_227 = arith.constant 4 : i32
    %broadcast_in_dim3A_228 = vector.broadcast %broadcast_in_dim3A_227 : i32 to vector<8x128xi32>
    %get3A_229 = arith.constant 0 : index
    %get3A_230 = arith.constant 4096 : index
    %get3A_231 = vector.load %arg1[%get3A_229, %get3A_230] : memref<8x32768xf32, #tpu.memory_space<vmem>>, vector<8x128xf32>
    %gt3A_232 = arith.cmpf ogt, %get3A_231, %max3A_183 : vector<8x128xf32>
    %max3A_233 = arith.maximumf %get3A_231, %max3A_183 : vector<8x128xf32>
    %select_n3A_234 = arith.select %gt3A_232, %broadcast_in_dim3A_228, %select_n3A_184 : vector<8x128xi1>, vector<8x128xi32>
    %get3A_235 = arith.constant 0 : index
    %get3A_236 = arith.constant 4224 : index
    %get3A_237 = vector.load %arg1[%get3A_235, %get3A_236] : memref<8x32768xf32, #tpu.memory_space<vmem>>, vector<8x128xf32>
    %gt3A_238 = arith.cmpf ogt, %get3A_237, %max3A_189 : vector<8x128xf32>
    %max3A_239 = arith.maximumf %get3A_237, %max3A_189 : vector<8x128xf32>
    %select_n3A_240 = arith.select %gt3A_238, %broadcast_in_dim3A_228, %select_n3A_190 : vector<8x128xi1>, vector<8x128xi32>
    %get3A_241 = arith.constant 0 : index
    %get3A_242 = arith.constant 4352 : index
    %get3A_243 = vector.load %arg1[%get3A_241, %get3A_242] : memref<8x32768xf32, #tpu.memory_space<vmem>>, vector<8x128xf32>
    %gt3A_244 = arith.cmpf ogt, %get3A_243, %max3A_195 : vector<8x128xf32>
    %max3A_245 = arith.maximumf %get3A_243, %max3A_195 : vector<8x128xf32>
    %select_n3A_246 = arith.select %gt3A_244, %broadcast_in_dim3A_228, %select_n3A_196 : vector<8x128xi1>, vector<8x128xi32>
    %get3A_247 = arith.constant 0 : index
    %get3A_248 = arith.constant 4480 : index
    %get3A_249 = vector.load %arg1[%get3A_247, %get3A_248] : memref<8x32768xf32, #tpu.memory_space<vmem>>, vector<8x128xf32>
    %gt3A_250 = arith.cmpf ogt, %get3A_249, %max3A_201 : vector<8x128xf32>
    %max3A_251 = arith.maximumf %get3A_249, %max3A_201 : vector<8x128xf32>
    %select_n3A_252 = arith.select %gt3A_250, %broadcast_in_dim3A_228, %select_n3A_202 : vector<8x128xi1>, vector<8x128xi32>
    %get3A_253 = arith.constant 0 : index
    %get3A_254 = arith.constant 4608 : index
    %get3A_255 = vector.load %arg1[%get3A_253, %get3A_254] : memref<8x32768xf32, #tpu.memory_space<vmem>>, vector<8x128xf32>
    %gt3A_256 = arith.cmpf ogt, %get3A_255, %max3A_207 : vector<8x128xf32>
    %max3A_257 = arith.maximumf %get3A_255, %max3A_207 : vector<8x128xf32>
    %select_n3A_258 = arith.select %gt3A_256, %broadcast_in_dim3A_228, %select_n3A_208 : vector<8x128xi1>, vector<8x128xi32>
    %get3A_259 = arith.constant 0 : index
    %get3A_260 = arith.constant 4736 : index
    %get3A_261 = vector.load %arg1[%get3A_259, %get3A_260] : memref<8x32768xf32, #tpu.memory_space<vmem>>, vector<8x128xf32>
    %gt3A_262 = arith.cmpf ogt, %get3A_261, %max3A_213 : vector<8x128xf32>
    %max3A_263 = arith.maximumf %get3A_261, %max3A_213 : vector<8x128xf32>
    %select_n3A_264 = arith.select %gt3A_262, %broadcast_in_dim3A_228, %select_n3A_214 : vector<8x128xi1>, vector<8x128xi32>
    %get3A_265 = arith.constant 0 : index
    %get3A_266 = arith.constant 4864 : index
    %get3A_267 = vector.load %arg1[%get3A_265, %get3A_266] : memref<8x32768xf32, #tpu.memory_space<vmem>>, vector<8x128xf32>
    %gt3A_268 = arith.cmpf ogt, %get3A_267, %max3A_219 : vector<8x128xf32>
    %max3A_269 = arith.maximumf %get3A_267, %max3A_219 : vector<8x128xf32>
    %select_n3A_270 = arith.select %gt3A_268, %broadcast_in_dim3A_228, %select_n3A_220 : vector<8x128xi1>, vector<8x128xi32>
    %get3A_271 = arith.constant 0 : index
    %get3A_272 = arith.constant 4992 : index
    %get3A_273 = vector.load %arg1[%get3A_271, %get3A_272] : memref<8x32768xf32, #tpu.memory_space<vmem>>, vector<8x128xf32>
    %gt3A_274 = arith.cmpf ogt, %get3A_273, %max3A_225 : vector<8x128xf32>
    %max3A_275 = arith.maximumf %get3A_273, %max3A_225 : vector<8x128xf32>
    %select_n3A_276 = arith.select %gt3A_274, %broadcast_in_dim3A_228, %select_n3A_226 : vector<8x128xi1>, vector<8x128xi32>
    %broadcast_in_dim3A_277 = arith.constant 5 : i32
    %broadcast_in_dim3A_278 = vector.broadcast %broadcast_in_dim3A_277 : i32 to vector<8x128xi32>
    %get3A_279 = arith.constant 0 : index
    %get3A_280 = arith.constant 5120 : index
    %get3A_281 = vector.load %arg1[%get3A_279, %get3A_280] : memref<8x32768xf32, #tpu.memory_space<vmem>>, vector<8x128xf32>
    %gt3A_282 = arith.cmpf ogt, %get3A_281, %max3A_233 : vector<8x128xf32>
    %max3A_283 = arith.maximumf %get3A_281, %max3A_233 : vector<8x128xf32>
    %select_n3A_284 = arith.select %gt3A_282, %broadcast_in_dim3A_278, %select_n3A_234 : vector<8x128xi1>, vector<8x128xi32>
    %get3A_285 = arith.constant 0 : index
    %get3A_286 = arith.constant 5248 : index
    %get3A_287 = vector.load %arg1[%get3A_285, %get3A_286] : memref<8x32768xf32, #tpu.memory_space<vmem>>, vector<8x128xf32>
    %gt3A_288 = arith.cmpf ogt, %get3A_287, %max3A_239 : vector<8x128xf32>
    %max3A_289 = arith.maximumf %get3A_287, %max3A_239 : vector<8x128xf32>
    %select_n3A_290 = arith.select %gt3A_288, %broadcast_in_dim3A_278, %select_n3A_240 : vector<8x128xi1>, vector<8x128xi32>
    %get3A_291 = arith.constant 0 : index
    %get3A_292 = arith.constant 5376 : index
    %get3A_293 = vector.load %arg1[%get3A_291, %get3A_292] : memref<8x32768xf32, #tpu.memory_space<vmem>>, vector<8x128xf32>
    %gt3A_294 = arith.cmpf ogt, %get3A_293, %max3A_245 : vector<8x128xf32>
    %max3A_295 = arith.maximumf %get3A_293, %max3A_245 : vector<8x128xf32>
    %select_n3A_296 = arith.select %gt3A_294, %broadcast_in_dim3A_278, %select_n3A_246 : vector<8x128xi1>, vector<8x128xi32>
    %get3A_297 = arith.constant 0 : index
    %get3A_298 = arith.constant 5504 : index
    %get3A_299 = vector.load %arg1[%get3A_297, %get3A_298] : memref<8x32768xf32, #tpu.memory_space<vmem>>, vector<8x128xf32>
    %gt3A_300 = arith.cmpf ogt, %get3A_299, %max3A_251 : vector<8x128xf32>
    %max3A_301 = arith.maximumf %get3A_299, %max3A_251 : vector<8x128xf32>
    %select_n3A_302 = arith.select %gt3A_300, %broadcast_in_dim3A_278, %select_n3A_252 : vector<8x128xi1>, vector<8x128xi32>
    %get3A_303 = arith.constant 0 : index
    %get3A_304 = arith.constant 5632 : index
    %get3A_305 = vector.load %arg1[%get3A_303, %get3A_304] : memref<8x32768xf32, #tpu.memory_space<vmem>>, vector<8x128xf32>
    %gt3A_306 = arith.cmpf ogt, %get3A_305, %max3A_257 : vector<8x128xf32>
    %max3A_307 = arith.maximumf %get3A_305, %max3A_257 : vector<8x128xf32>
    %select_n3A_308 = arith.select %gt3A_306, %broadcast_in_dim3A_278, %select_n3A_258 : vector<8x128xi1>, vector<8x128xi32>
    %get3A_309 = arith.constant 0 : index
    %get3A_310 = arith.constant 5760 : index
    %get3A_311 = vector.load %arg1[%get3A_309, %get3A_310] : memref<8x32768xf32, #tpu.memory_space<vmem>>, vector<8x128xf32>
    %gt3A_312 = arith.cmpf ogt, %get3A_311, %max3A_263 : vector<8x128xf32>
    %max3A_313 = arith.maximumf %get3A_311, %max3A_263 : vector<8x128xf32>
    %select_n3A_314 = arith.select %gt3A_312, %broadcast_in_dim3A_278, %select_n3A_264 : vector<8x128xi1>, vector<8x128xi32>
    %get3A_315 = arith.constant 0 : index
    %get3A_316 = arith.constant 5888 : index
    %get3A_317 = vector.load %arg1[%get3A_315, %get3A_316] : memref<8x32768xf32, #tpu.memory_space<vmem>>, vector<8x128xf32>
    %gt3A_318 = arith.cmpf ogt, %get3A_317, %max3A_269 : vector<8x128xf32>
    %max3A_319 = arith.maximumf %get3A_317, %max3A_269 : vector<8x128xf32>
    %select_n3A_320 = arith.select %gt3A_318, %broadcast_in_dim3A_278, %select_n3A_270 : vector<8x128xi1>, vector<8x128xi32>
    %get3A_321 = arith.constant 0 : index
    %get3A_322 = arith.constant 6016 : index
    %get3A_323 = vector.load %arg1[%get3A_321, %get3A_322] : memref<8x32768xf32, #tpu.memory_space<vmem>>, vector<8x128xf32>
    %gt3A_324 = arith.cmpf ogt, %get3A_323, %max3A_275 : vector<8x128xf32>
    %max3A_325 = arith.maximumf %get3A_323, %max3A_275 : vector<8x128xf32>
    %select_n3A_326 = arith.select %gt3A_324, %broadcast_in_dim3A_278, %select_n3A_276 : vector<8x128xi1>, vector<8x128xi32>
    %broadcast_in_dim3A_327 = arith.constant 6 : i32
    %broadcast_in_dim3A_328 = vector.broadcast %broadcast_in_dim3A_327 : i32 to vector<8x128xi32>
    %get3A_329 = arith.constant 0 : index
    %get3A_330 = arith.constant 6144 : index
    %get3A_331 = vector.load %arg1[%get3A_329, %get3A_330] : memref<8x32768xf32, #tpu.memory_space<vmem>>, vector<8x128xf32>
    %gt3A_332 = arith.cmpf ogt, %get3A_331, %max3A_283 : vector<8x128xf32>
    %max3A_333 = arith.maximumf %get3A_331, %max3A_283 : vector<8x128xf32>
    %select_n3A_334 = arith.select %gt3A_332, %broadcast_in_dim3A_328, %select_n3A_284 : vector<8x128xi1>, vector<8x128xi32>
    %get3A_335 = arith.constant 0 : index
    %get3A_336 = arith.constant 6272 : index
    %get3A_337 = vector.load %arg1[%get3A_335, %get3A_336] : memref<8x32768xf32, #tpu.memory_space<vmem>>, vector<8x128xf32>
    %gt3A_338 = arith.cmpf ogt, %get3A_337, %max3A_289 : vector<8x128xf32>
    %max3A_339 = arith.maximumf %get3A_337, %max3A_289 : vector<8x128xf32>
    %select_n3A_340 = arith.select %gt3A_338, %broadcast_in_dim3A_328, %select_n3A_290 : vector<8x128xi1>, vector<8x128xi32>
    %get3A_341 = arith.constant 0 : index
    %get3A_342 = arith.constant 6400 : index
    %get3A_343 = vector.load %arg1[%get3A_341, %get3A_342] : memref<8x32768xf32, #tpu.memory_space<vmem>>, vector<8x128xf32>
    %gt3A_344 = arith.cmpf ogt, %get3A_343, %max3A_295 : vector<8x128xf32>
    %max3A_345 = arith.maximumf %get3A_343, %max3A_295 : vector<8x128xf32>
    %select_n3A_346 = arith.select %gt3A_344, %broadcast_in_dim3A_328, %select_n3A_296 : vector<8x128xi1>, vector<8x128xi32>
    %get3A_347 = arith.constant 0 : index
    %get3A_348 = arith.constant 6528 : index
    %get3A_349 = vector.load %arg1[%get3A_347, %get3A_348] : memref<8x32768xf32, #tpu.memory_space<vmem>>, vector<8x128xf32>
    %gt3A_350 = arith.cmpf ogt, %get3A_349, %max3A_301 : vector<8x128xf32>
    %max3A_351 = arith.maximumf %get3A_349, %max3A_301 : vector<8x128xf32>
    %select_n3A_352 = arith.select %gt3A_350, %broadcast_in_dim3A_328, %select_n3A_302 : vector<8x128xi1>, vector<8x128xi32>
    %get3A_353 = arith.constant 0 : index
    %get3A_354 = arith.constant 6656 : index
    %get3A_355 = vector.load %arg1[%get3A_353, %get3A_354] : memref<8x32768xf32, #tpu.memory_space<vmem>>, vector<8x128xf32>
    %gt3A_356 = arith.cmpf ogt, %get3A_355, %max3A_307 : vector<8x128xf32>
    %max3A_357 = arith.maximumf %get3A_355, %max3A_307 : vector<8x128xf32>
    %select_n3A_358 = arith.select %gt3A_356, %broadcast_in_dim3A_328, %select_n3A_308 : vector<8x128xi1>, vector<8x128xi32>
    %get3A_359 = arith.constant 0 : index
    %get3A_360 = arith.constant 6784 : index
    %get3A_361 = vector.load %arg1[%get3A_359, %get3A_360] : memref<8x32768xf32, #tpu.memory_space<vmem>>, vector<8x128xf32>
    %gt3A_362 = arith.cmpf ogt, %get3A_361, %max3A_313 : vector<8x128xf32>
    %max3A_363 = arith.maximumf %get3A_361, %max3A_313 : vector<8x128xf32>
    %select_n3A_364 = arith.select %gt3A_362, %broadcast_in_dim3A_328, %select_n3A_314 : vector<8x128xi1>, vector<8x128xi32>
    %get3A_365 = arith.constant 0 : index
    %get3A_366 = arith.constant 6912 : index
    %get3A_367 = vector.load %arg1[%get3A_365, %get3A_366] : memref<8x32768xf32, #tpu.memory_space<vmem>>, vector<8x128xf32>
    %gt3A_368 = arith.cmpf ogt, %get3A_367, %max3A_319 : vector<8x128xf32>
    %max3A_369 = arith.maximumf %get3A_367, %max3A_319 : vector<8x128xf32>
    %select_n3A_370 = arith.select %gt3A_368, %broadcast_in_dim3A_328, %select_n3A_320 : vector<8x128xi1>, vector<8x128xi32>
    %get3A_371 = arith.constant 0 : index
    %get3A_372 = arith.constant 7040 : index
    %get3A_373 = vector.load %arg1[%get3A_371, %get3A_372] : memref<8x32768xf32, #tpu.memory_space<vmem>>, vector<8x128xf32>
    %gt3A_374 = arith.cmpf ogt, %get3A_373, %max3A_325 : vector<8x128xf32>
    %max3A_375 = arith.maximumf %get3A_373, %max3A_325 : vector<8x128xf32>
    %select_n3A_376 = arith.select %gt3A_374, %broadcast_in_dim3A_328, %select_n3A_326 : vector<8x128xi1>, vector<8x128xi32>
    %broadcast_in_dim3A_377 = arith.constant 7 : i32
    %broadcast_in_dim3A_378 = vector.broadcast %broadcast_in_dim3A_377 : i32 to vector<8x128xi32>
    %get3A_379 = arith.constant 0 : index
    %get3A_380 = arith.constant 7168 : index
    %get3A_381 = vector.load %arg1[%get3A_379, %get3A_380] : memref<8x32768xf32, #tpu.memory_space<vmem>>, vector<8x128xf32>
    %gt3A_382 = arith.cmpf ogt, %get3A_381, %max3A_333 : vector<8x128xf32>
    %max3A_383 = arith.maximumf %get3A_381, %max3A_333 : vector<8x128xf32>
    %select_n3A_384 = arith.select %gt3A_382, %broadcast_in_dim3A_378, %select_n3A_334 : vector<8x128xi1>, vector<8x128xi32>
    %get3A_385 = arith.constant 0 : index
    %get3A_386 = arith.constant 7296 : index
    %get3A_387 = vector.load %arg1[%get3A_385, %get3A_386] : memref<8x32768xf32, #tpu.memory_space<vmem>>, vector<8x128xf32>
    %gt3A_388 = arith.cmpf ogt, %get3A_387, %max3A_339 : vector<8x128xf32>
    %max3A_389 = arith.maximumf %get3A_387, %max3A_339 : vector<8x128xf32>
    %select_n3A_390 = arith.select %gt3A_388, %broadcast_in_dim3A_378, %select_n3A_340 : vector<8x128xi1>, vector<8x128xi32>
    %get3A_391 = arith.constant 0 : index
    %get3A_392 = arith.constant 7424 : index
    %get3A_393 = vector.load %arg1[%get3A_391, %get3A_392] : memref<8x32768xf32, #tpu.memory_space<vmem>>, vector<8x128xf32>
    %gt3A_394 = arith.cmpf ogt, %get3A_393, %max3A_345 : vector<8x128xf32>
    %max3A_395 = arith.maximumf %get3A_393, %max3A_345 : vector<8x128xf32>
    %select_n3A_396 = arith.select %gt3A_394, %broadcast_in_dim3A_378, %select_n3A_346 : vector<8x128xi1>, vector<8x128xi32>
    %get3A_397 = arith.constant 0 : index
    %get3A_398 = arith.constant 7552 : index
    %get3A_399 = vector.load %arg1[%get3A_397, %get3A_398] : memref<8x32768xf32, #tpu.memory_space<vmem>>, vector<8x128xf32>
    %gt3A_400 = arith.cmpf ogt, %get3A_399, %max3A_351 : vector<8x128xf32>
    %max3A_401 = arith.maximumf %get3A_399, %max3A_351 : vector<8x128xf32>
    %select_n3A_402 = arith.select %gt3A_400, %broadcast_in_dim3A_378, %select_n3A_352 : vector<8x128xi1>, vector<8x128xi32>
    %get3A_403 = arith.constant 0 : index
    %get3A_404 = arith.constant 7680 : index
    %get3A_405 = vector.load %arg1[%get3A_403, %get3A_404] : memref<8x32768xf32, #tpu.memory_space<vmem>>, vector<8x128xf32>
    %gt3A_406 = arith.cmpf ogt, %get3A_405, %max3A_357 : vector<8x128xf32>
    %max3A_407 = arith.maximumf %get3A_405, %max3A_357 : vector<8x128xf32>
    %select_n3A_408 = arith.select %gt3A_406, %broadcast_in_dim3A_378, %select_n3A_358 : vector<8x128xi1>, vector<8x128xi32>
    %get3A_409 = arith.constant 0 : index
    %get3A_410 = arith.constant 7808 : index
    %get3A_411 = vector.load %arg1[%get3A_409, %get3A_410] : memref<8x32768xf32, #tpu.memory_space<vmem>>, vector<8x128xf32>
    %gt3A_412 = arith.cmpf ogt, %get3A_411, %max3A_363 : vector<8x128xf32>
    %max3A_413 = arith.maximumf %get3A_411, %max3A_363 : vector<8x128xf32>
    %select_n3A_414 = arith.select %gt3A_412, %broadcast_in_dim3A_378, %select_n3A_364 : vector<8x128xi1>, vector<8x128xi32>
    %get3A_415 = arith.constant 0 : index
    %get3A_416 = arith.constant 7936 : index
    %get3A_417 = vector.load %arg1[%get3A_415, %get3A_416] : memref<8x32768xf32, #tpu.memory_space<vmem>>, vector<8x128xf32>
    %gt3A_418 = arith.cmpf ogt, %get3A_417, %max3A_369 : vector<8x128xf32>
    %max3A_419 = arith.maximumf %get3A_417, %max3A_369 : vector<8x128xf32>
    %select_n3A_420 = arith.select %gt3A_418, %broadcast_in_dim3A_378, %select_n3A_370 : vector<8x128xi1>, vector<8x128xi32>
    %get3A_421 = arith.constant 0 : index
    %get3A_422 = arith.constant 8064 : index
    %get3A_423 = vector.load %arg1[%get3A_421, %get3A_422] : memref<8x32768xf32, #tpu.memory_space<vmem>>, vector<8x128xf32>
    %gt3A_424 = arith.cmpf ogt, %get3A_423, %max3A_375 : vector<8x128xf32>
    %max3A_425 = arith.maximumf %get3A_423, %max3A_375 : vector<8x128xf32>
    %select_n3A_426 = arith.select %gt3A_424, %broadcast_in_dim3A_378, %select_n3A_376 : vector<8x128xi1>, vector<8x128xi32>
    %broadcast_in_dim3A_427 = arith.constant 8 : i32
    %broadcast_in_dim3A_428 = vector.broadcast %broadcast_in_dim3A_427 : i32 to vector<8x128xi32>
    %get3A_429 = arith.constant 0 : index
    %get3A_430 = arith.constant 8192 : index
    %get3A_431 = vector.load %arg1[%get3A_429, %get3A_430] : memref<8x32768xf32, #tpu.memory_space<vmem>>, vector<8x128xf32>
    %gt3A_432 = arith.cmpf ogt, %get3A_431, %max3A_383 : vector<8x128xf32>
    %max3A_433 = arith.maximumf %get3A_431, %max3A_383 : vector<8x128xf32>
    %select_n3A_434 = arith.select %gt3A_432, %broadcast_in_dim3A_428, %select_n3A_384 : vector<8x128xi1>, vector<8x128xi32>
    %get3A_435 = arith.constant 0 : index
    %get3A_436 = arith.constant 8320 : index
    %get3A_437 = vector.load %arg1[%get3A_435, %get3A_436] : memref<8x32768xf32, #tpu.memory_space<vmem>>, vector<8x128xf32>
    %gt3A_438 = arith.cmpf ogt, %get3A_437, %max3A_389 : vector<8x128xf32>
    %max3A_439 = arith.maximumf %get3A_437, %max3A_389 : vector<8x128xf32>
    %select_n3A_440 = arith.select %gt3A_438, %broadcast_in_dim3A_428, %select_n3A_390 : vector<8x128xi1>, vector<8x128xi32>
    %get3A_441 = arith.constant 0 : index
    %get3A_442 = arith.constant 8448 : index
    %get3A_443 = vector.load %arg1[%get3A_441, %get3A_442] : memref<8x32768xf32, #tpu.memory_space<vmem>>, vector<8x128xf32>
    %gt3A_444 = arith.cmpf ogt, %get3A_443, %max3A_395 : vector<8x128xf32>
    %max3A_445 = arith.maximumf %get3A_443, %max3A_395 : vector<8x128xf32>
    %select_n3A_446 = arith.select %gt3A_444, %broadcast_in_dim3A_428, %select_n3A_396 : vector<8x128xi1>, vector<8x128xi32>
    %get3A_447 = arith.constant 0 : index
    %get3A_448 = arith.constant 8576 : index
    %get3A_449 = vector.load %arg1[%get3A_447, %get3A_448] : memref<8x32768xf32, #tpu.memory_space<vmem>>, vector<8x128xf32>
    %gt3A_450 = arith.cmpf ogt, %get3A_449, %max3A_401 : vector<8x128xf32>
    %max3A_451 = arith.maximumf %get3A_449, %max3A_401 : vector<8x128xf32>
    %select_n3A_452 = arith.select %gt3A_450, %broadcast_in_dim3A_428, %select_n3A_402 : vector<8x128xi1>, vector<8x128xi32>
    %get3A_453 = arith.constant 0 : index
    %get3A_454 = arith.constant 8704 : index
    %get3A_455 = vector.load %arg1[%get3A_453, %get3A_454] : memref<8x32768xf32, #tpu.memory_space<vmem>>, vector<8x128xf32>
    %gt3A_456 = arith.cmpf ogt, %get3A_455, %max3A_407 : vector<8x128xf32>
    %max3A_457 = arith.maximumf %get3A_455, %max3A_407 : vector<8x128xf32>
    %select_n3A_458 = arith.select %gt3A_456, %broadcast_in_dim3A_428, %select_n3A_408 : vector<8x128xi1>, vector<8x128xi32>
    %get3A_459 = arith.constant 0 : index
    %get3A_460 = arith.constant 8832 : index
    %get3A_461 = vector.load %arg1[%get3A_459, %get3A_460] : memref<8x32768xf32, #tpu.memory_space<vmem>>, vector<8x128xf32>
    %gt3A_462 = arith.cmpf ogt, %get3A_461, %max3A_413 : vector<8x128xf32>
    %max3A_463 = arith.maximumf %get3A_461, %max3A_413 : vector<8x128xf32>
    %select_n3A_464 = arith.select %gt3A_462, %broadcast_in_dim3A_428, %select_n3A_414 : vector<8x128xi1>, vector<8x128xi32>
    %get3A_465 = arith.constant 0 : index
    %get3A_466 = arith.constant 8960 : index
    %get3A_467 = vector.load %arg1[%get3A_465, %get3A_466] : memref<8x32768xf32, #tpu.memory_space<vmem>>, vector<8x128xf32>
    %gt3A_468 = arith.cmpf ogt, %get3A_467, %max3A_419 : vector<8x128xf32>
    %max3A_469 = arith.maximumf %get3A_467, %max3A_419 : vector<8x128xf32>
    %select_n3A_470 = arith.select %gt3A_468, %broadcast_in_dim3A_428, %select_n3A_420 : vector<8x128xi1>, vector<8x128xi32>
    %get3A_471 = arith.constant 0 : index
    %get3A_472 = arith.constant 9088 : index
    %get3A_473 = vector.load %arg1[%get3A_471, %get3A_472] : memref<8x32768xf32, #tpu.memory_space<vmem>>, vector<8x128xf32>
    %gt3A_474 = arith.cmpf ogt, %get3A_473, %max3A_425 : vector<8x128xf32>
    %max3A_475 = arith.maximumf %get3A_473, %max3A_425 : vector<8x128xf32>
    %select_n3A_476 = arith.select %gt3A_474, %broadcast_in_dim3A_428, %select_n3A_426 : vector<8x128xi1>, vector<8x128xi32>
    %broadcast_in_dim3A_477 = arith.constant 9 : i32
    %broadcast_in_dim3A_478 = vector.broadcast %broadcast_in_dim3A_477 : i32 to vector<8x128xi32>
    %get3A_479 = arith.constant 0 : index
    %get3A_480 = arith.constant 9216 : index
    %get3A_481 = vector.load %arg1[%get3A_479, %get3A_480] : memref<8x32768xf32, #tpu.memory_space<vmem>>, vector<8x128xf32>
    %gt3A_482 = arith.cmpf ogt, %get3A_481, %max3A_433 : vector<8x128xf32>
    %max3A_483 = arith.maximumf %get3A_481, %max3A_433 : vector<8x128xf32>
    %select_n3A_484 = arith.select %gt3A_482, %broadcast_in_dim3A_478, %select_n3A_434 : vector<8x128xi1>, vector<8x128xi32>
    %get3A_485 = arith.constant 0 : index
    %get3A_486 = arith.constant 9344 : index
    %get3A_487 = vector.load %arg1[%get3A_485, %get3A_486] : memref<8x32768xf32, #tpu.memory_space<vmem>>, vector<8x128xf32>
    %gt3A_488 = arith.cmpf ogt, %get3A_487, %max3A_439 : vector<8x128xf32>
    %max3A_489 = arith.maximumf %get3A_487, %max3A_439 : vector<8x128xf32>
    %select_n3A_490 = arith.select %gt3A_488, %broadcast_in_dim3A_478, %select_n3A_440 : vector<8x128xi1>, vector<8x128xi32>
    %get3A_491 = arith.constant 0 : index
    %get3A_492 = arith.constant 9472 : index
    %get3A_493 = vector.load %arg1[%get3A_491, %get3A_492] : memref<8x32768xf32, #tpu.memory_space<vmem>>, vector<8x128xf32>
    %gt3A_494 = arith.cmpf ogt, %get3A_493, %max3A_445 : vector<8x128xf32>
    %max3A_495 = arith.maximumf %get3A_493, %max3A_445 : vector<8x128xf32>
    %select_n3A_496 = arith.select %gt3A_494, %broadcast_in_dim3A_478, %select_n3A_446 : vector<8x128xi1>, vector<8x128xi32>
    %get3A_497 = arith.constant 0 : index
    %get3A_498 = arith.constant 9600 : index
    %get3A_499 = vector.load %arg1[%get3A_497, %get3A_498] : memref<8x32768xf32, #tpu.memory_space<vmem>>, vector<8x128xf32>
    %gt3A_500 = arith.cmpf ogt, %get3A_499, %max3A_451 : vector<8x128xf32>
    %max3A_501 = arith.maximumf %get3A_499, %max3A_451 : vector<8x128xf32>
    %select_n3A_502 = arith.select %gt3A_500, %broadcast_in_dim3A_478, %select_n3A_452 : vector<8x128xi1>, vector<8x128xi32>
    %get3A_503 = arith.constant 0 : index
    %get3A_504 = arith.constant 9728 : index
    %get3A_505 = vector.load %arg1[%get3A_503, %get3A_504] : memref<8x32768xf32, #tpu.memory_space<vmem>>, vector<8x128xf32>
    %gt3A_506 = arith.cmpf ogt, %get3A_505, %max3A_457 : vector<8x128xf32>
    %max3A_507 = arith.maximumf %get3A_505, %max3A_457 : vector<8x128xf32>
    %select_n3A_508 = arith.select %gt3A_506, %broadcast_in_dim3A_478, %select_n3A_458 : vector<8x128xi1>, vector<8x128xi32>
    %get3A_509 = arith.constant 0 : index
    %get3A_510 = arith.constant 9856 : index
    %get3A_511 = vector.load %arg1[%get3A_509, %get3A_510] : memref<8x32768xf32, #tpu.memory_space<vmem>>, vector<8x128xf32>
    %gt3A_512 = arith.cmpf ogt, %get3A_511, %max3A_463 : vector<8x128xf32>
    %max3A_513 = arith.maximumf %get3A_511, %max3A_463 : vector<8x128xf32>
    %select_n3A_514 = arith.select %gt3A_512, %broadcast_in_dim3A_478, %select_n3A_464 : vector<8x128xi1>, vector<8x128xi32>
    %get3A_515 = arith.constant 0 : index
    %get3A_516 = arith.constant 9984 : index
    %get3A_517 = vector.load %arg1[%get3A_515, %get3A_516] : memref<8x32768xf32, #tpu.memory_space<vmem>>, vector<8x128xf32>
    %gt3A_518 = arith.cmpf ogt, %get3A_517, %max3A_469 : vector<8x128xf32>
    %max3A_519 = arith.maximumf %get3A_517, %max3A_469 : vector<8x128xf32>
    %select_n3A_520 = arith.select %gt3A_518, %broadcast_in_dim3A_478, %select_n3A_470 : vector<8x128xi1>, vector<8x128xi32>
    %get3A_521 = arith.constant 0 : index
    %get3A_522 = arith.constant 10112 : index
    %get3A_523 = vector.load %arg1[%get3A_521, %get3A_522] : memref<8x32768xf32, #tpu.memory_space<vmem>>, vector<8x128xf32>
    %gt3A_524 = arith.cmpf ogt, %get3A_523, %max3A_475 : vector<8x128xf32>
    %max3A_525 = arith.maximumf %get3A_523, %max3A_475 : vector<8x128xf32>
    %select_n3A_526 = arith.select %gt3A_524, %broadcast_in_dim3A_478, %select_n3A_476 : vector<8x128xi1>, vector<8x128xi32>
    %broadcast_in_dim3A_527 = arith.constant 10 : i32
    %broadcast_in_dim3A_528 = vector.broadcast %broadcast_in_dim3A_527 : i32 to vector<8x128xi32>
    %get3A_529 = arith.constant 0 : index
    %get3A_530 = arith.constant 10240 : index
    %get3A_531 = vector.load %arg1[%get3A_529, %get3A_530] : memref<8x32768xf32, #tpu.memory_space<vmem>>, vector<8x128xf32>
    %gt3A_532 = arith.cmpf ogt, %get3A_531, %max3A_483 : vector<8x128xf32>
    %max3A_533 = arith.maximumf %get3A_531, %max3A_483 : vector<8x128xf32>
    %select_n3A_534 = arith.select %gt3A_532, %broadcast_in_dim3A_528, %select_n3A_484 : vector<8x128xi1>, vector<8x128xi32>
    %get3A_535 = arith.constant 0 : index
    %get3A_536 = arith.constant 10368 : index
    %get3A_537 = vector.load %arg1[%get3A_535, %get3A_536] : memref<8x32768xf32, #tpu.memory_space<vmem>>, vector<8x128xf32>
    %gt3A_538 = arith.cmpf ogt, %get3A_537, %max3A_489 : vector<8x128xf32>
    %max3A_539 = arith.maximumf %get3A_537, %max3A_489 : vector<8x128xf32>
    %select_n3A_540 = arith.select %gt3A_538, %broadcast_in_dim3A_528, %select_n3A_490 : vector<8x128xi1>, vector<8x128xi32>
    %get3A_541 = arith.constant 0 : index
    %get3A_542 = arith.constant 10496 : index
    %get3A_543 = vector.load %arg1[%get3A_541, %get3A_542] : memref<8x32768xf32, #tpu.memory_space<vmem>>, vector<8x128xf32>
    %gt3A_544 = arith.cmpf ogt, %get3A_543, %max3A_495 : vector<8x128xf32>
    %max3A_545 = arith.maximumf %get3A_543, %max3A_495 : vector<8x128xf32>
    %select_n3A_546 = arith.select %gt3A_544, %broadcast_in_dim3A_528, %select_n3A_496 : vector<8x128xi1>, vector<8x128xi32>
    %get3A_547 = arith.constant 0 : index
    %get3A_548 = arith.constant 10624 : index
    %get3A_549 = vector.load %arg1[%get3A_547, %get3A_548] : memref<8x32768xf32, #tpu.memory_space<vmem>>, vector<8x128xf32>
    %gt3A_550 = arith.cmpf ogt, %get3A_549, %max3A_501 : vector<8x128xf32>
    %max3A_551 = arith.maximumf %get3A_549, %max3A_501 : vector<8x128xf32>
    %select_n3A_552 = arith.select %gt3A_550, %broadcast_in_dim3A_528, %select_n3A_502 : vector<8x128xi1>, vector<8x128xi32>
    %get3A_553 = arith.constant 0 : index
    %get3A_554 = arith.constant 10752 : index
    %get3A_555 = vector.load %arg1[%get3A_553, %get3A_554] : memref<8x32768xf32, #tpu.memory_space<vmem>>, vector<8x128xf32>
    %gt3A_556 = arith.cmpf ogt, %get3A_555, %max3A_507 : vector<8x128xf32>
    %max3A_557 = arith.maximumf %get3A_555, %max3A_507 : vector<8x128xf32>
    %select_n3A_558 = arith.select %gt3A_556, %broadcast_in_dim3A_528, %select_n3A_508 : vector<8x128xi1>, vector<8x128xi32>
    %get3A_559 = arith.constant 0 : index
    %get3A_560 = arith.constant 10880 : index
    %get3A_561 = vector.load %arg1[%get3A_559, %get3A_560] : memref<8x32768xf32, #tpu.memory_space<vmem>>, vector<8x128xf32>
    %gt3A_562 = arith.cmpf ogt, %get3A_561, %max3A_513 : vector<8x128xf32>
    %max3A_563 = arith.maximumf %get3A_561, %max3A_513 : vector<8x128xf32>
    %select_n3A_564 = arith.select %gt3A_562, %broadcast_in_dim3A_528, %select_n3A_514 : vector<8x128xi1>, vector<8x128xi32>
    %get3A_565 = arith.constant 0 : index
    %get3A_566 = arith.constant 11008 : index
    %get3A_567 = vector.load %arg1[%get3A_565, %get3A_566] : memref<8x32768xf32, #tpu.memory_space<vmem>>, vector<8x128xf32>
    %gt3A_568 = arith.cmpf ogt, %get3A_567, %max3A_519 : vector<8x128xf32>
    %max3A_569 = arith.maximumf %get3A_567, %max3A_519 : vector<8x128xf32>
    %select_n3A_570 = arith.select %gt3A_568, %broadcast_in_dim3A_528, %select_n3A_520 : vector<8x128xi1>, vector<8x128xi32>
    %get3A_571 = arith.constant 0 : index
    %get3A_572 = arith.constant 11136 : index
    %get3A_573 = vector.load %arg1[%get3A_571, %get3A_572] : memref<8x32768xf32, #tpu.memory_space<vmem>>, vector<8x128xf32>
    %gt3A_574 = arith.cmpf ogt, %get3A_573, %max3A_525 : vector<8x128xf32>
    %max3A_575 = arith.maximumf %get3A_573, %max3A_525 : vector<8x128xf32>
    %select_n3A_576 = arith.select %gt3A_574, %broadcast_in_dim3A_528, %select_n3A_526 : vector<8x128xi1>, vector<8x128xi32>
    %broadcast_in_dim3A_577 = arith.constant 11 : i32
    %broadcast_in_dim3A_578 = vector.broadcast %broadcast_in_dim3A_577 : i32 to vector<8x128xi32>
    %get3A_579 = arith.constant 0 : index
    %get3A_580 = arith.constant 11264 : index
    %get3A_581 = vector.load %arg1[%get3A_579, %get3A_580] : memref<8x32768xf32, #tpu.memory_space<vmem>>, vector<8x128xf32>
    %gt3A_582 = arith.cmpf ogt, %get3A_581, %max3A_533 : vector<8x128xf32>
    %max3A_583 = arith.maximumf %get3A_581, %max3A_533 : vector<8x128xf32>
    %select_n3A_584 = arith.select %gt3A_582, %broadcast_in_dim3A_578, %select_n3A_534 : vector<8x128xi1>, vector<8x128xi32>
    %get3A_585 = arith.constant 0 : index
    %get3A_586 = arith.constant 11392 : index
    %get3A_587 = vector.load %arg1[%get3A_585, %get3A_586] : memref<8x32768xf32, #tpu.memory_space<vmem>>, vector<8x128xf32>
    %gt3A_588 = arith.cmpf ogt, %get3A_587, %max3A_539 : vector<8x128xf32>
    %max3A_589 = arith.maximumf %get3A_587, %max3A_539 : vector<8x128xf32>
    %select_n3A_590 = arith.select %gt3A_588, %broadcast_in_dim3A_578, %select_n3A_540 : vector<8x128xi1>, vector<8x128xi32>
    %get3A_591 = arith.constant 0 : index
    %get3A_592 = arith.constant 11520 : index
    %get3A_593 = vector.load %arg1[%get3A_591, %get3A_592] : memref<8x32768xf32, #tpu.memory_space<vmem>>, vector<8x128xf32>
    %gt3A_594 = arith.cmpf ogt, %get3A_593, %max3A_545 : vector<8x128xf32>
    %max3A_595 = arith.maximumf %get3A_593, %max3A_545 : vector<8x128xf32>
    %select_n3A_596 = arith.select %gt3A_594, %broadcast_in_dim3A_578, %select_n3A_546 : vector<8x128xi1>, vector<8x128xi32>
    %get3A_597 = arith.constant 0 : index
    %get3A_598 = arith.constant 11648 : index
    %get3A_599 = vector.load %arg1[%get3A_597, %get3A_598] : memref<8x32768xf32, #tpu.memory_space<vmem>>, vector<8x128xf32>
    %gt3A_600 = arith.cmpf ogt, %get3A_599, %max3A_551 : vector<8x128xf32>
    %max3A_601 = arith.maximumf %get3A_599, %max3A_551 : vector<8x128xf32>
    %select_n3A_602 = arith.select %gt3A_600, %broadcast_in_dim3A_578, %select_n3A_552 : vector<8x128xi1>, vector<8x128xi32>
    %get3A_603 = arith.constant 0 : index
    %get3A_604 = arith.constant 11776 : index
    %get3A_605 = vector.load %arg1[%get3A_603, %get3A_604] : memref<8x32768xf32, #tpu.memory_space<vmem>>, vector<8x128xf32>
    %gt3A_606 = arith.cmpf ogt, %get3A_605, %max3A_557 : vector<8x128xf32>
    %max3A_607 = arith.maximumf %get3A_605, %max3A_557 : vector<8x128xf32>
    %select_n3A_608 = arith.select %gt3A_606, %broadcast_in_dim3A_578, %select_n3A_558 : vector<8x128xi1>, vector<8x128xi32>
    %get3A_609 = arith.constant 0 : index
    %get3A_610 = arith.constant 11904 : index
    %get3A_611 = vector.load %arg1[%get3A_609, %get3A_610] : memref<8x32768xf32, #tpu.memory_space<vmem>>, vector<8x128xf32>
    %gt3A_612 = arith.cmpf ogt, %get3A_611, %max3A_563 : vector<8x128xf32>
    %max3A_613 = arith.maximumf %get3A_611, %max3A_563 : vector<8x128xf32>
    %select_n3A_614 = arith.select %gt3A_612, %broadcast_in_dim3A_578, %select_n3A_564 : vector<8x128xi1>, vector<8x128xi32>
    %get3A_615 = arith.constant 0 : index
    %get3A_616 = arith.constant 12032 : index
    %get3A_617 = vector.load %arg1[%get3A_615, %get3A_616] : memref<8x32768xf32, #tpu.memory_space<vmem>>, vector<8x128xf32>
    %gt3A_618 = arith.cmpf ogt, %get3A_617, %max3A_569 : vector<8x128xf32>
    %max3A_619 = arith.maximumf %get3A_617, %max3A_569 : vector<8x128xf32>
    %select_n3A_620 = arith.select %gt3A_618, %broadcast_in_dim3A_578, %select_n3A_570 : vector<8x128xi1>, vector<8x128xi32>
    %get3A_621 = arith.constant 0 : index
    %get3A_622 = arith.constant 12160 : index
    %get3A_623 = vector.load %arg1[%get3A_621, %get3A_622] : memref<8x32768xf32, #tpu.memory_space<vmem>>, vector<8x128xf32>
    %gt3A_624 = arith.cmpf ogt, %get3A_623, %max3A_575 : vector<8x128xf32>
    %max3A_625 = arith.maximumf %get3A_623, %max3A_575 : vector<8x128xf32>
    %select_n3A_626 = arith.select %gt3A_624, %broadcast_in_dim3A_578, %select_n3A_576 : vector<8x128xi1>, vector<8x128xi32>
    %broadcast_in_dim3A_627 = arith.constant 12 : i32
    %broadcast_in_dim3A_628 = vector.broadcast %broadcast_in_dim3A_627 : i32 to vector<8x128xi32>
    %get3A_629 = arith.constant 0 : index
    %get3A_630 = arith.constant 12288 : index
    %get3A_631 = vector.load %arg1[%get3A_629, %get3A_630] : memref<8x32768xf32, #tpu.memory_space<vmem>>, vector<8x128xf32>
    %gt3A_632 = arith.cmpf ogt, %get3A_631, %max3A_583 : vector<8x128xf32>
    %max3A_633 = arith.maximumf %get3A_631, %max3A_583 : vector<8x128xf32>
    %select_n3A_634 = arith.select %gt3A_632, %broadcast_in_dim3A_628, %select_n3A_584 : vector<8x128xi1>, vector<8x128xi32>
    %get3A_635 = arith.constant 0 : index
    %get3A_636 = arith.constant 12416 : index
    %get3A_637 = vector.load %arg1[%get3A_635, %get3A_636] : memref<8x32768xf32, #tpu.memory_space<vmem>>, vector<8x128xf32>
    %gt3A_638 = arith.cmpf ogt, %get3A_637, %max3A_589 : vector<8x128xf32>
    %max3A_639 = arith.maximumf %get3A_637, %max3A_589 : vector<8x128xf32>
    %select_n3A_640 = arith.select %gt3A_638, %broadcast_in_dim3A_628, %select_n3A_590 : vector<8x128xi1>, vector<8x128xi32>
    %get3A_641 = arith.constant 0 : index
    %get3A_642 = arith.constant 12544 : index
    %get3A_643 = vector.load %arg1[%get3A_641, %get3A_642] : memref<8x32768xf32, #tpu.memory_space<vmem>>, vector<8x128xf32>
    %gt3A_644 = arith.cmpf ogt, %get3A_643, %max3A_595 : vector<8x128xf32>
    %max3A_645 = arith.maximumf %get3A_643, %max3A_595 : vector<8x128xf32>
    %select_n3A_646 = arith.select %gt3A_644, %broadcast_in_dim3A_628, %select_n3A_596 : vector<8x128xi1>, vector<8x128xi32>
    %get3A_647 = arith.constant 0 : index
    %get3A_648 = arith.constant 12672 : index
    %get3A_649 = vector.load %arg1[%get3A_647, %get3A_648] : memref<8x32768xf32, #tpu.memory_space<vmem>>, vector<8x128xf32>
    %gt3A_650 = arith.cmpf ogt, %get3A_649, %max3A_601 : vector<8x128xf32>
    %max3A_651 = arith.maximumf %get3A_649, %max3A_601 : vector<8x128xf32>
    %select_n3A_652 = arith.select %gt3A_650, %broadcast_in_dim3A_628, %select_n3A_602 : vector<8x128xi1>, vector<8x128xi32>
    %get3A_653 = arith.constant 0 : index
    %get3A_654 = arith.constant 12800 : index
    %get3A_655 = vector.load %arg1[%get3A_653, %get3A_654] : memref<8x32768xf32, #tpu.memory_space<vmem>>, vector<8x128xf32>
    %gt3A_656 = arith.cmpf ogt, %get3A_655, %max3A_607 : vector<8x128xf32>
    %max3A_657 = arith.maximumf %get3A_655, %max3A_607 : vector<8x128xf32>
    %select_n3A_658 = arith.select %gt3A_656, %broadcast_in_dim3A_628, %select_n3A_608 : vector<8x128xi1>, vector<8x128xi32>
    %get3A_659 = arith.constant 0 : index
    %get3A_660 = arith.constant 12928 : index
    %get3A_661 = vector.load %arg1[%get3A_659, %get3A_660] : memref<8x32768xf32, #tpu.memory_space<vmem>>, vector<8x128xf32>
    %gt3A_662 = arith.cmpf ogt, %get3A_661, %max3A_613 : vector<8x128xf32>
    %max3A_663 = arith.maximumf %get3A_661, %max3A_613 : vector<8x128xf32>
    %select_n3A_664 = arith.select %gt3A_662, %broadcast_in_dim3A_628, %select_n3A_614 : vector<8x128xi1>, vector<8x128xi32>
    %get3A_665 = arith.constant 0 : index
    %get3A_666 = arith.constant 13056 : index
    %get3A_667 = vector.load %arg1[%get3A_665, %get3A_666] : memref<8x32768xf32, #tpu.memory_space<vmem>>, vector<8x128xf32>
    %gt3A_668 = arith.cmpf ogt, %get3A_667, %max3A_619 : vector<8x128xf32>
    %max3A_669 = arith.maximumf %get3A_667, %max3A_619 : vector<8x128xf32>
    %select_n3A_670 = arith.select %gt3A_668, %broadcast_in_dim3A_628, %select_n3A_620 : vector<8x128xi1>, vector<8x128xi32>
    %get3A_671 = arith.constant 0 : index
    %get3A_672 = arith.constant 13184 : index
    %get3A_673 = vector.load %arg1[%get3A_671, %get3A_672] : memref<8x32768xf32, #tpu.memory_space<vmem>>, vector<8x128xf32>
    %gt3A_674 = arith.cmpf ogt, %get3A_673, %max3A_625 : vector<8x128xf32>
    %max3A_675 = arith.maximumf %get3A_673, %max3A_625 : vector<8x128xf32>
    %select_n3A_676 = arith.select %gt3A_674, %broadcast_in_dim3A_628, %select_n3A_626 : vector<8x128xi1>, vector<8x128xi32>
    %broadcast_in_dim3A_677 = arith.constant 13 : i32
    %broadcast_in_dim3A_678 = vector.broadcast %broadcast_in_dim3A_677 : i32 to vector<8x128xi32>
    %get3A_679 = arith.constant 0 : index
    %get3A_680 = arith.constant 13312 : index
    %get3A_681 = vector.load %arg1[%get3A_679, %get3A_680] : memref<8x32768xf32, #tpu.memory_space<vmem>>, vector<8x128xf32>
    %gt3A_682 = arith.cmpf ogt, %get3A_681, %max3A_633 : vector<8x128xf32>
    %max3A_683 = arith.maximumf %get3A_681, %max3A_633 : vector<8x128xf32>
    %select_n3A_684 = arith.select %gt3A_682, %broadcast_in_dim3A_678, %select_n3A_634 : vector<8x128xi1>, vector<8x128xi32>
    %get3A_685 = arith.constant 0 : index
    %get3A_686 = arith.constant 13440 : index
    %get3A_687 = vector.load %arg1[%get3A_685, %get3A_686] : memref<8x32768xf32, #tpu.memory_space<vmem>>, vector<8x128xf32>
    %gt3A_688 = arith.cmpf ogt, %get3A_687, %max3A_639 : vector<8x128xf32>
    %max3A_689 = arith.maximumf %get3A_687, %max3A_639 : vector<8x128xf32>
    %select_n3A_690 = arith.select %gt3A_688, %broadcast_in_dim3A_678, %select_n3A_640 : vector<8x128xi1>, vector<8x128xi32>
    %get3A_691 = arith.constant 0 : index
    %get3A_692 = arith.constant 13568 : index
    %get3A_693 = vector.load %arg1[%get3A_691, %get3A_692] : memref<8x32768xf32, #tpu.memory_space<vmem>>, vector<8x128xf32>
    %gt3A_694 = arith.cmpf ogt, %get3A_693, %max3A_645 : vector<8x128xf32>
    %max3A_695 = arith.maximumf %get3A_693, %max3A_645 : vector<8x128xf32>
    %select_n3A_696 = arith.select %gt3A_694, %broadcast_in_dim3A_678, %select_n3A_646 : vector<8x128xi1>, vector<8x128xi32>
    %get3A_697 = arith.constant 0 : index
    %get3A_698 = arith.constant 13696 : index
    %get3A_699 = vector.load %arg1[%get3A_697, %get3A_698] : memref<8x32768xf32, #tpu.memory_space<vmem>>, vector<8x128xf32>
    %gt3A_700 = arith.cmpf ogt, %get3A_699, %max3A_651 : vector<8x128xf32>
    %max3A_701 = arith.maximumf %get3A_699, %max3A_651 : vector<8x128xf32>
    %select_n3A_702 = arith.select %gt3A_700, %broadcast_in_dim3A_678, %select_n3A_652 : vector<8x128xi1>, vector<8x128xi32>
    %get3A_703 = arith.constant 0 : index
    %get3A_704 = arith.constant 13824 : index
    %get3A_705 = vector.load %arg1[%get3A_703, %get3A_704] : memref<8x32768xf32, #tpu.memory_space<vmem>>, vector<8x128xf32>
    %gt3A_706 = arith.cmpf ogt, %get3A_705, %max3A_657 : vector<8x128xf32>
    %max3A_707 = arith.maximumf %get3A_705, %max3A_657 : vector<8x128xf32>
    %select_n3A_708 = arith.select %gt3A_706, %broadcast_in_dim3A_678, %select_n3A_658 : vector<8x128xi1>, vector<8x128xi32>
    %get3A_709 = arith.constant 0 : index
    %get3A_710 = arith.constant 13952 : index
    %get3A_711 = vector.load %arg1[%get3A_709, %get3A_710] : memref<8x32768xf32, #tpu.memory_space<vmem>>, vector<8x128xf32>
    %gt3A_712 = arith.cmpf ogt, %get3A_711, %max3A_663 : vector<8x128xf32>
    %max3A_713 = arith.maximumf %get3A_711, %max3A_663 : vector<8x128xf32>
    %select_n3A_714 = arith.select %gt3A_712, %broadcast_in_dim3A_678, %select_n3A_664 : vector<8x128xi1>, vector<8x128xi32>
    %get3A_715 = arith.constant 0 : index
    %get3A_716 = arith.constant 14080 : index
    %get3A_717 = vector.load %arg1[%get3A_715, %get3A_716] : memref<8x32768xf32, #tpu.memory_space<vmem>>, vector<8x128xf32>
    %gt3A_718 = arith.cmpf ogt, %get3A_717, %max3A_669 : vector<8x128xf32>
    %max3A_719 = arith.maximumf %get3A_717, %max3A_669 : vector<8x128xf32>
    %select_n3A_720 = arith.select %gt3A_718, %broadcast_in_dim3A_678, %select_n3A_670 : vector<8x128xi1>, vector<8x128xi32>
    %get3A_721 = arith.constant 0 : index
    %get3A_722 = arith.constant 14208 : index
    %get3A_723 = vector.load %arg1[%get3A_721, %get3A_722] : memref<8x32768xf32, #tpu.memory_space<vmem>>, vector<8x128xf32>
    %gt3A_724 = arith.cmpf ogt, %get3A_723, %max3A_675 : vector<8x128xf32>
    %max3A_725 = arith.maximumf %get3A_723, %max3A_675 : vector<8x128xf32>
    %select_n3A_726 = arith.select %gt3A_724, %broadcast_in_dim3A_678, %select_n3A_676 : vector<8x128xi1>, vector<8x128xi32>
    %broadcast_in_dim3A_727 = arith.constant 14 : i32
    %broadcast_in_dim3A_728 = vector.broadcast %broadcast_in_dim3A_727 : i32 to vector<8x128xi32>
    %get3A_729 = arith.constant 0 : index
    %get3A_730 = arith.constant 14336 : index
    %get3A_731 = vector.load %arg1[%get3A_729, %get3A_730] : memref<8x32768xf32, #tpu.memory_space<vmem>>, vector<8x128xf32>
    %gt3A_732 = arith.cmpf ogt, %get3A_731, %max3A_683 : vector<8x128xf32>
    %max3A_733 = arith.maximumf %get3A_731, %max3A_683 : vector<8x128xf32>
    %select_n3A_734 = arith.select %gt3A_732, %broadcast_in_dim3A_728, %select_n3A_684 : vector<8x128xi1>, vector<8x128xi32>
    %get3A_735 = arith.constant 0 : index
    %get3A_736 = arith.constant 14464 : index
    %get3A_737 = vector.load %arg1[%get3A_735, %get3A_736] : memref<8x32768xf32, #tpu.memory_space<vmem>>, vector<8x128xf32>
    %gt3A_738 = arith.cmpf ogt, %get3A_737, %max3A_689 : vector<8x128xf32>
    %max3A_739 = arith.maximumf %get3A_737, %max3A_689 : vector<8x128xf32>
    %select_n3A_740 = arith.select %gt3A_738, %broadcast_in_dim3A_728, %select_n3A_690 : vector<8x128xi1>, vector<8x128xi32>
    %get3A_741 = arith.constant 0 : index
    %get3A_742 = arith.constant 14592 : index
    %get3A_743 = vector.load %arg1[%get3A_741, %get3A_742] : memref<8x32768xf32, #tpu.memory_space<vmem>>, vector<8x128xf32>
    %gt3A_744 = arith.cmpf ogt, %get3A_743, %max3A_695 : vector<8x128xf32>
    %max3A_745 = arith.maximumf %get3A_743, %max3A_695 : vector<8x128xf32>
    %select_n3A_746 = arith.select %gt3A_744, %broadcast_in_dim3A_728, %select_n3A_696 : vector<8x128xi1>, vector<8x128xi32>
    %get3A_747 = arith.constant 0 : index
    %get3A_748 = arith.constant 14720 : index
    %get3A_749 = vector.load %arg1[%get3A_747, %get3A_748] : memref<8x32768xf32, #tpu.memory_space<vmem>>, vector<8x128xf32>
    %gt3A_750 = arith.cmpf ogt, %get3A_749, %max3A_701 : vector<8x128xf32>
    %max3A_751 = arith.maximumf %get3A_749, %max3A_701 : vector<8x128xf32>
    %select_n3A_752 = arith.select %gt3A_750, %broadcast_in_dim3A_728, %select_n3A_702 : vector<8x128xi1>, vector<8x128xi32>
    %get3A_753 = arith.constant 0 : index
    %get3A_754 = arith.constant 14848 : index
    %get3A_755 = vector.load %arg1[%get3A_753, %get3A_754] : memref<8x32768xf32, #tpu.memory_space<vmem>>, vector<8x128xf32>
    %gt3A_756 = arith.cmpf ogt, %get3A_755, %max3A_707 : vector<8x128xf32>
    %max3A_757 = arith.maximumf %get3A_755, %max3A_707 : vector<8x128xf32>
    %select_n3A_758 = arith.select %gt3A_756, %broadcast_in_dim3A_728, %select_n3A_708 : vector<8x128xi1>, vector<8x128xi32>
    %get3A_759 = arith.constant 0 : index
    %get3A_760 = arith.constant 14976 : index
    %get3A_761 = vector.load %arg1[%get3A_759, %get3A_760] : memref<8x32768xf32, #tpu.memory_space<vmem>>, vector<8x128xf32>
    %gt3A_762 = arith.cmpf ogt, %get3A_761, %max3A_713 : vector<8x128xf32>
    %max3A_763 = arith.maximumf %get3A_761, %max3A_713 : vector<8x128xf32>
    %select_n3A_764 = arith.select %gt3A_762, %broadcast_in_dim3A_728, %select_n3A_714 : vector<8x128xi1>, vector<8x128xi32>
    %get3A_765 = arith.constant 0 : index
    %get3A_766 = arith.constant 15104 : index
    %get3A_767 = vector.load %arg1[%get3A_765, %get3A_766] : memref<8x32768xf32, #tpu.memory_space<vmem>>, vector<8x128xf32>
    %gt3A_768 = arith.cmpf ogt, %get3A_767, %max3A_719 : vector<8x128xf32>
    %max3A_769 = arith.maximumf %get3A_767, %max3A_719 : vector<8x128xf32>
    %select_n3A_770 = arith.select %gt3A_768, %broadcast_in_dim3A_728, %select_n3A_720 : vector<8x128xi1>, vector<8x128xi32>
    %get3A_771 = arith.constant 0 : index
    %get3A_772 = arith.constant 15232 : index
    %get3A_773 = vector.load %arg1[%get3A_771, %get3A_772] : memref<8x32768xf32, #tpu.memory_space<vmem>>, vector<8x128xf32>
    %gt3A_774 = arith.cmpf ogt, %get3A_773, %max3A_725 : vector<8x128xf32>
    %max3A_775 = arith.maximumf %get3A_773, %max3A_725 : vector<8x128xf32>
    %select_n3A_776 = arith.select %gt3A_774, %broadcast_in_dim3A_728, %select_n3A_726 : vector<8x128xi1>, vector<8x128xi32>
    %broadcast_in_dim3A_777 = arith.constant 15 : i32
    %broadcast_in_dim3A_778 = vector.broadcast %broadcast_in_dim3A_777 : i32 to vector<8x128xi32>
    %get3A_779 = arith.constant 0 : index
    %get3A_780 = arith.constant 15360 : index
    %get3A_781 = vector.load %arg1[%get3A_779, %get3A_780] : memref<8x32768xf32, #tpu.memory_space<vmem>>, vector<8x128xf32>
    %gt3A_782 = arith.cmpf ogt, %get3A_781, %max3A_733 : vector<8x128xf32>
    %max3A_783 = arith.maximumf %get3A_781, %max3A_733 : vector<8x128xf32>
    %select_n3A_784 = arith.select %gt3A_782, %broadcast_in_dim3A_778, %select_n3A_734 : vector<8x128xi1>, vector<8x128xi32>
    %get3A_785 = arith.constant 0 : index
    %get3A_786 = arith.constant 15488 : index
    %get3A_787 = vector.load %arg1[%get3A_785, %get3A_786] : memref<8x32768xf32, #tpu.memory_space<vmem>>, vector<8x128xf32>
    %gt3A_788 = arith.cmpf ogt, %get3A_787, %max3A_739 : vector<8x128xf32>
    %max3A_789 = arith.maximumf %get3A_787, %max3A_739 : vector<8x128xf32>
    %select_n3A_790 = arith.select %gt3A_788, %broadcast_in_dim3A_778, %select_n3A_740 : vector<8x128xi1>, vector<8x128xi32>
    %get3A_791 = arith.constant 0 : index
    %get3A_792 = arith.constant 15616 : index
    %get3A_793 = vector.load %arg1[%get3A_791, %get3A_792] : memref<8x32768xf32, #tpu.memory_space<vmem>>, vector<8x128xf32>
    %gt3A_794 = arith.cmpf ogt, %get3A_793, %max3A_745 : vector<8x128xf32>
    %max3A_795 = arith.maximumf %get3A_793, %max3A_745 : vector<8x128xf32>
    %select_n3A_796 = arith.select %gt3A_794, %broadcast_in_dim3A_778, %select_n3A_746 : vector<8x128xi1>, vector<8x128xi32>
    %get3A_797 = arith.constant 0 : index
    %get3A_798 = arith.constant 15744 : index
    %get3A_799 = vector.load %arg1[%get3A_797, %get3A_798] : memref<8x32768xf32, #tpu.memory_space<vmem>>, vector<8x128xf32>
    %gt3A_800 = arith.cmpf ogt, %get3A_799, %max3A_751 : vector<8x128xf32>
    %max3A_801 = arith.maximumf %get3A_799, %max3A_751 : vector<8x128xf32>
    %select_n3A_802 = arith.select %gt3A_800, %broadcast_in_dim3A_778, %select_n3A_752 : vector<8x128xi1>, vector<8x128xi32>
    %get3A_803 = arith.constant 0 : index
    %get3A_804 = arith.constant 15872 : index
    %get3A_805 = vector.load %arg1[%get3A_803, %get3A_804] : memref<8x32768xf32, #tpu.memory_space<vmem>>, vector<8x128xf32>
    %gt3A_806 = arith.cmpf ogt, %get3A_805, %max3A_757 : vector<8x128xf32>
    %max3A_807 = arith.maximumf %get3A_805, %max3A_757 : vector<8x128xf32>
    %select_n3A_808 = arith.select %gt3A_806, %broadcast_in_dim3A_778, %select_n3A_758 : vector<8x128xi1>, vector<8x128xi32>
    %get3A_809 = arith.constant 0 : index
    %get3A_810 = arith.constant 16000 : index
    %get3A_811 = vector.load %arg1[%get3A_809, %get3A_810] : memref<8x32768xf32, #tpu.memory_space<vmem>>, vector<8x128xf32>
    %gt3A_812 = arith.cmpf ogt, %get3A_811, %max3A_763 : vector<8x128xf32>
    %max3A_813 = arith.maximumf %get3A_811, %max3A_763 : vector<8x128xf32>
    %select_n3A_814 = arith.select %gt3A_812, %broadcast_in_dim3A_778, %select_n3A_764 : vector<8x128xi1>, vector<8x128xi32>
    %get3A_815 = arith.constant 0 : index
    %get3A_816 = arith.constant 16128 : index
    %get3A_817 = vector.load %arg1[%get3A_815, %get3A_816] : memref<8x32768xf32, #tpu.memory_space<vmem>>, vector<8x128xf32>
    %gt3A_818 = arith.cmpf ogt, %get3A_817, %max3A_769 : vector<8x128xf32>
    %max3A_819 = arith.maximumf %get3A_817, %max3A_769 : vector<8x128xf32>
    %select_n3A_820 = arith.select %gt3A_818, %broadcast_in_dim3A_778, %select_n3A_770 : vector<8x128xi1>, vector<8x128xi32>
    %get3A_821 = arith.constant 0 : index
    %get3A_822 = arith.constant 16256 : index
    %get3A_823 = vector.load %arg1[%get3A_821, %get3A_822] : memref<8x32768xf32, #tpu.memory_space<vmem>>, vector<8x128xf32>
    %gt3A_824 = arith.cmpf ogt, %get3A_823, %max3A_775 : vector<8x128xf32>
    %max3A_825 = arith.maximumf %get3A_823, %max3A_775 : vector<8x128xf32>
    %select_n3A_826 = arith.select %gt3A_824, %broadcast_in_dim3A_778, %select_n3A_776 : vector<8x128xi1>, vector<8x128xi32>
    %broadcast_in_dim3A_827 = arith.constant 16 : i32
    %broadcast_in_dim3A_828 = vector.broadcast %broadcast_in_dim3A_827 : i32 to vector<8x128xi32>
    %get3A_829 = arith.constant 0 : index
    %get3A_830 = arith.constant 16384 : index
    %get3A_831 = vector.load %arg1[%get3A_829, %get3A_830] : memref<8x32768xf32, #tpu.memory_space<vmem>>, vector<8x128xf32>
    %gt3A_832 = arith.cmpf ogt, %get3A_831, %max3A_783 : vector<8x128xf32>
    %max3A_833 = arith.maximumf %get3A_831, %max3A_783 : vector<8x128xf32>
    %select_n3A_834 = arith.select %gt3A_832, %broadcast_in_dim3A_828, %select_n3A_784 : vector<8x128xi1>, vector<8x128xi32>
    %get3A_835 = arith.constant 0 : index
    %get3A_836 = arith.constant 16512 : index
    %get3A_837 = vector.load %arg1[%get3A_835, %get3A_836] : memref<8x32768xf32, #tpu.memory_space<vmem>>, vector<8x128xf32>
    %gt3A_838 = arith.cmpf ogt, %get3A_837, %max3A_789 : vector<8x128xf32>
    %max3A_839 = arith.maximumf %get3A_837, %max3A_789 : vector<8x128xf32>
    %select_n3A_840 = arith.select %gt3A_838, %broadcast_in_dim3A_828, %select_n3A_790 : vector<8x128xi1>, vector<8x128xi32>
    %get3A_841 = arith.constant 0 : index
    %get3A_842 = arith.constant 16640 : index
    %get3A_843 = vector.load %arg1[%get3A_841, %get3A_842] : memref<8x32768xf32, #tpu.memory_space<vmem>>, vector<8x128xf32>
    %gt3A_844 = arith.cmpf ogt, %get3A_843, %max3A_795 : vector<8x128xf32>
    %max3A_845 = arith.maximumf %get3A_843, %max3A_795 : vector<8x128xf32>
    %select_n3A_846 = arith.select %gt3A_844, %broadcast_in_dim3A_828, %select_n3A_796 : vector<8x128xi1>, vector<8x128xi32>
    %get3A_847 = arith.constant 0 : index
    %get3A_848 = arith.constant 16768 : index
    %get3A_849 = vector.load %arg1[%get3A_847, %get3A_848] : memref<8x32768xf32, #tpu.memory_space<vmem>>, vector<8x128xf32>
    %gt3A_850 = arith.cmpf ogt, %get3A_849, %max3A_801 : vector<8x128xf32>
    %max3A_851 = arith.maximumf %get3A_849, %max3A_801 : vector<8x128xf32>
    %select_n3A_852 = arith.select %gt3A_850, %broadcast_in_dim3A_828, %select_n3A_802 : vector<8x128xi1>, vector<8x128xi32>
    %get3A_853 = arith.constant 0 : index
    %get3A_854 = arith.constant 16896 : index
    %get3A_855 = vector.load %arg1[%get3A_853, %get3A_854] : memref<8x32768xf32, #tpu.memory_space<vmem>>, vector<8x128xf32>
    %gt3A_856 = arith.cmpf ogt, %get3A_855, %max3A_807 : vector<8x128xf32>
    %max3A_857 = arith.maximumf %get3A_855, %max3A_807 : vector<8x128xf32>
    %select_n3A_858 = arith.select %gt3A_856, %broadcast_in_dim3A_828, %select_n3A_808 : vector<8x128xi1>, vector<8x128xi32>
    %get3A_859 = arith.constant 0 : index
    %get3A_860 = arith.constant 17024 : index
    %get3A_861 = vector.load %arg1[%get3A_859, %get3A_860] : memref<8x32768xf32, #tpu.memory_space<vmem>>, vector<8x128xf32>
    %gt3A_862 = arith.cmpf ogt, %get3A_861, %max3A_813 : vector<8x128xf32>
    %max3A_863 = arith.maximumf %get3A_861, %max3A_813 : vector<8x128xf32>
    %select_n3A_864 = arith.select %gt3A_862, %broadcast_in_dim3A_828, %select_n3A_814 : vector<8x128xi1>, vector<8x128xi32>
    %get3A_865 = arith.constant 0 : index
    %get3A_866 = arith.constant 17152 : index
    %get3A_867 = vector.load %arg1[%get3A_865, %get3A_866] : memref<8x32768xf32, #tpu.memory_space<vmem>>, vector<8x128xf32>
    %gt3A_868 = arith.cmpf ogt, %get3A_867, %max3A_819 : vector<8x128xf32>
    %max3A_869 = arith.maximumf %get3A_867, %max3A_819 : vector<8x128xf32>
    %select_n3A_870 = arith.select %gt3A_868, %broadcast_in_dim3A_828, %select_n3A_820 : vector<8x128xi1>, vector<8x128xi32>
    %get3A_871 = arith.constant 0 : index
    %get3A_872 = arith.constant 17280 : index
    %get3A_873 = vector.load %arg1[%get3A_871, %get3A_872] : memref<8x32768xf32, #tpu.memory_space<vmem>>, vector<8x128xf32>
    %gt3A_874 = arith.cmpf ogt, %get3A_873, %max3A_825 : vector<8x128xf32>
    %max3A_875 = arith.maximumf %get3A_873, %max3A_825 : vector<8x128xf32>
    %select_n3A_876 = arith.select %gt3A_874, %broadcast_in_dim3A_828, %select_n3A_826 : vector<8x128xi1>, vector<8x128xi32>
    %broadcast_in_dim3A_877 = arith.constant 17 : i32
    %broadcast_in_dim3A_878 = vector.broadcast %broadcast_in_dim3A_877 : i32 to vector<8x128xi32>
    %get3A_879 = arith.constant 0 : index
    %get3A_880 = arith.constant 17408 : index
    %get3A_881 = vector.load %arg1[%get3A_879, %get3A_880] : memref<8x32768xf32, #tpu.memory_space<vmem>>, vector<8x128xf32>
    %gt3A_882 = arith.cmpf ogt, %get3A_881, %max3A_833 : vector<8x128xf32>
    %max3A_883 = arith.maximumf %get3A_881, %max3A_833 : vector<8x128xf32>
    %select_n3A_884 = arith.select %gt3A_882, %broadcast_in_dim3A_878, %select_n3A_834 : vector<8x128xi1>, vector<8x128xi32>
    %get3A_885 = arith.constant 0 : index
    %get3A_886 = arith.constant 17536 : index
    %get3A_887 = vector.load %arg1[%get3A_885, %get3A_886] : memref<8x32768xf32, #tpu.memory_space<vmem>>, vector<8x128xf32>
    %gt3A_888 = arith.cmpf ogt, %get3A_887, %max3A_839 : vector<8x128xf32>
    %max3A_889 = arith.maximumf %get3A_887, %max3A_839 : vector<8x128xf32>
    %select_n3A_890 = arith.select %gt3A_888, %broadcast_in_dim3A_878, %select_n3A_840 : vector<8x128xi1>, vector<8x128xi32>
    %get3A_891 = arith.constant 0 : index
    %get3A_892 = arith.constant 17664 : index
    %get3A_893 = vector.load %arg1[%get3A_891, %get3A_892] : memref<8x32768xf32, #tpu.memory_space<vmem>>, vector<8x128xf32>
    %gt3A_894 = arith.cmpf ogt, %get3A_893, %max3A_845 : vector<8x128xf32>
    %max3A_895 = arith.maximumf %get3A_893, %max3A_845 : vector<8x128xf32>
    %select_n3A_896 = arith.select %gt3A_894, %broadcast_in_dim3A_878, %select_n3A_846 : vector<8x128xi1>, vector<8x128xi32>
    %get3A_897 = arith.constant 0 : index
    %get3A_898 = arith.constant 17792 : index
    %get3A_899 = vector.load %arg1[%get3A_897, %get3A_898] : memref<8x32768xf32, #tpu.memory_space<vmem>>, vector<8x128xf32>
    %gt3A_900 = arith.cmpf ogt, %get3A_899, %max3A_851 : vector<8x128xf32>
    %max3A_901 = arith.maximumf %get3A_899, %max3A_851 : vector<8x128xf32>
    %select_n3A_902 = arith.select %gt3A_900, %broadcast_in_dim3A_878, %select_n3A_852 : vector<8x128xi1>, vector<8x128xi32>
    %get3A_903 = arith.constant 0 : index
    %get3A_904 = arith.constant 17920 : index
    %get3A_905 = vector.load %arg1[%get3A_903, %get3A_904] : memref<8x32768xf32, #tpu.memory_space<vmem>>, vector<8x128xf32>
    %gt3A_906 = arith.cmpf ogt, %get3A_905, %max3A_857 : vector<8x128xf32>
    %max3A_907 = arith.maximumf %get3A_905, %max3A_857 : vector<8x128xf32>
    %select_n3A_908 = arith.select %gt3A_906, %broadcast_in_dim3A_878, %select_n3A_858 : vector<8x128xi1>, vector<8x128xi32>
    %get3A_909 = arith.constant 0 : index
    %get3A_910 = arith.constant 18048 : index
    %get3A_911 = vector.load %arg1[%get3A_909, %get3A_910] : memref<8x32768xf32, #tpu.memory_space<vmem>>, vector<8x128xf32>
    %gt3A_912 = arith.cmpf ogt, %get3A_911, %max3A_863 : vector<8x128xf32>
    %max3A_913 = arith.maximumf %get3A_911, %max3A_863 : vector<8x128xf32>
    %select_n3A_914 = arith.select %gt3A_912, %broadcast_in_dim3A_878, %select_n3A_864 : vector<8x128xi1>, vector<8x128xi32>
    %get3A_915 = arith.constant 0 : index
    %get3A_916 = arith.constant 18176 : index
    %get3A_917 = vector.load %arg1[%get3A_915, %get3A_916] : memref<8x32768xf32, #tpu.memory_space<vmem>>, vector<8x128xf32>
    %gt3A_918 = arith.cmpf ogt, %get3A_917, %max3A_869 : vector<8x128xf32>
    %max3A_919 = arith.maximumf %get3A_917, %max3A_869 : vector<8x128xf32>
    %select_n3A_920 = arith.select %gt3A_918, %broadcast_in_dim3A_878, %select_n3A_870 : vector<8x128xi1>, vector<8x128xi32>
    %get3A_921 = arith.constant 0 : index
    %get3A_922 = arith.constant 18304 : index
    %get3A_923 = vector.load %arg1[%get3A_921, %get3A_922] : memref<8x32768xf32, #tpu.memory_space<vmem>>, vector<8x128xf32>
    %gt3A_924 = arith.cmpf ogt, %get3A_923, %max3A_875 : vector<8x128xf32>
    %max3A_925 = arith.maximumf %get3A_923, %max3A_875 : vector<8x128xf32>
    %select_n3A_926 = arith.select %gt3A_924, %broadcast_in_dim3A_878, %select_n3A_876 : vector<8x128xi1>, vector<8x128xi32>
    %broadcast_in_dim3A_927 = arith.constant 18 : i32
    %broadcast_in_dim3A_928 = vector.broadcast %broadcast_in_dim3A_927 : i32 to vector<8x128xi32>
    %get3A_929 = arith.constant 0 : index
    %get3A_930 = arith.constant 18432 : index
    %get3A_931 = vector.load %arg1[%get3A_929, %get3A_930] : memref<8x32768xf32, #tpu.memory_space<vmem>>, vector<8x128xf32>
    %gt3A_932 = arith.cmpf ogt, %get3A_931, %max3A_883 : vector<8x128xf32>
    %max3A_933 = arith.maximumf %get3A_931, %max3A_883 : vector<8x128xf32>
    %select_n3A_934 = arith.select %gt3A_932, %broadcast_in_dim3A_928, %select_n3A_884 : vector<8x128xi1>, vector<8x128xi32>
    %get3A_935 = arith.constant 0 : index
    %get3A_936 = arith.constant 18560 : index
    %get3A_937 = vector.load %arg1[%get3A_935, %get3A_936] : memref<8x32768xf32, #tpu.memory_space<vmem>>, vector<8x128xf32>
    %gt3A_938 = arith.cmpf ogt, %get3A_937, %max3A_889 : vector<8x128xf32>
    %max3A_939 = arith.maximumf %get3A_937, %max3A_889 : vector<8x128xf32>
    %select_n3A_940 = arith.select %gt3A_938, %broadcast_in_dim3A_928, %select_n3A_890 : vector<8x128xi1>, vector<8x128xi32>
    %get3A_941 = arith.constant 0 : index
    %get3A_942 = arith.constant 18688 : index
    %get3A_943 = vector.load %arg1[%get3A_941, %get3A_942] : memref<8x32768xf32, #tpu.memory_space<vmem>>, vector<8x128xf32>
    %gt3A_944 = arith.cmpf ogt, %get3A_943, %max3A_895 : vector<8x128xf32>
    %max3A_945 = arith.maximumf %get3A_943, %max3A_895 : vector<8x128xf32>
    %select_n3A_946 = arith.select %gt3A_944, %broadcast_in_dim3A_928, %select_n3A_896 : vector<8x128xi1>, vector<8x128xi32>
    %get3A_947 = arith.constant 0 : index
    %get3A_948 = arith.constant 18816 : index
    %get3A_949 = vector.load %arg1[%get3A_947, %get3A_948] : memref<8x32768xf32, #tpu.memory_space<vmem>>, vector<8x128xf32>
    %gt3A_950 = arith.cmpf ogt, %get3A_949, %max3A_901 : vector<8x128xf32>
    %max3A_951 = arith.maximumf %get3A_949, %max3A_901 : vector<8x128xf32>
    %select_n3A_952 = arith.select %gt3A_950, %broadcast_in_dim3A_928, %select_n3A_902 : vector<8x128xi1>, vector<8x128xi32>
    %get3A_953 = arith.constant 0 : index
    %get3A_954 = arith.constant 18944 : index
    %get3A_955 = vector.load %arg1[%get3A_953, %get3A_954] : memref<8x32768xf32, #tpu.memory_space<vmem>>, vector<8x128xf32>
    %gt3A_956 = arith.cmpf ogt, %get3A_955, %max3A_907 : vector<8x128xf32>
    %max3A_957 = arith.maximumf %get3A_955, %max3A_907 : vector<8x128xf32>
    %select_n3A_958 = arith.select %gt3A_956, %broadcast_in_dim3A_928, %select_n3A_908 : vector<8x128xi1>, vector<8x128xi32>
    %get3A_959 = arith.constant 0 : index
    %get3A_960 = arith.constant 19072 : index
    %get3A_961 = vector.load %arg1[%get3A_959, %get3A_960] : memref<8x32768xf32, #tpu.memory_space<vmem>>, vector<8x128xf32>
    %gt3A_962 = arith.cmpf ogt, %get3A_961, %max3A_913 : vector<8x128xf32>
    %max3A_963 = arith.maximumf %get3A_961, %max3A_913 : vector<8x128xf32>
    %select_n3A_964 = arith.select %gt3A_962, %broadcast_in_dim3A_928, %select_n3A_914 : vector<8x128xi1>, vector<8x128xi32>
    %get3A_965 = arith.constant 0 : index
    %get3A_966 = arith.constant 19200 : index
    %get3A_967 = vector.load %arg1[%get3A_965, %get3A_966] : memref<8x32768xf32, #tpu.memory_space<vmem>>, vector<8x128xf32>
    %gt3A_968 = arith.cmpf ogt, %get3A_967, %max3A_919 : vector<8x128xf32>
    %max3A_969 = arith.maximumf %get3A_967, %max3A_919 : vector<8x128xf32>
    %select_n3A_970 = arith.select %gt3A_968, %broadcast_in_dim3A_928, %select_n3A_920 : vector<8x128xi1>, vector<8x128xi32>
    %get3A_971 = arith.constant 0 : index
    %get3A_972 = arith.constant 19328 : index
    %get3A_973 = vector.load %arg1[%get3A_971, %get3A_972] : memref<8x32768xf32, #tpu.memory_space<vmem>>, vector<8x128xf32>
    %gt3A_974 = arith.cmpf ogt, %get3A_973, %max3A_925 : vector<8x128xf32>
    %max3A_975 = arith.maximumf %get3A_973, %max3A_925 : vector<8x128xf32>
    %select_n3A_976 = arith.select %gt3A_974, %broadcast_in_dim3A_928, %select_n3A_926 : vector<8x128xi1>, vector<8x128xi32>
    %broadcast_in_dim3A_977 = arith.constant 19 : i32
    %broadcast_in_dim3A_978 = vector.broadcast %broadcast_in_dim3A_977 : i32 to vector<8x128xi32>
    %get3A_979 = arith.constant 0 : index
    %get3A_980 = arith.constant 19456 : index
    %get3A_981 = vector.load %arg1[%get3A_979, %get3A_980] : memref<8x32768xf32, #tpu.memory_space<vmem>>, vector<8x128xf32>
    %gt3A_982 = arith.cmpf ogt, %get3A_981, %max3A_933 : vector<8x128xf32>
    %max3A_983 = arith.maximumf %get3A_981, %max3A_933 : vector<8x128xf32>
    %select_n3A_984 = arith.select %gt3A_982, %broadcast_in_dim3A_978, %select_n3A_934 : vector<8x128xi1>, vector<8x128xi32>
    %get3A_985 = arith.constant 0 : index
    %get3A_986 = arith.constant 19584 : index
    %get3A_987 = vector.load %arg1[%get3A_985, %get3A_986] : memref<8x32768xf32, #tpu.memory_space<vmem>>, vector<8x128xf32>
    %gt3A_988 = arith.cmpf ogt, %get3A_987, %max3A_939 : vector<8x128xf32>
    %max3A_989 = arith.maximumf %get3A_987, %max3A_939 : vector<8x128xf32>
    %select_n3A_990 = arith.select %gt3A_988, %broadcast_in_dim3A_978, %select_n3A_940 : vector<8x128xi1>, vector<8x128xi32>
    %get3A_991 = arith.constant 0 : index
    %get3A_992 = arith.constant 19712 : index
    %get3A_993 = vector.load %arg1[%get3A_991, %get3A_992] : memref<8x32768xf32, #tpu.memory_space<vmem>>, vector<8x128xf32>
    %gt3A_994 = arith.cmpf ogt, %get3A_993, %max3A_945 : vector<8x128xf32>
    %max3A_995 = arith.maximumf %get3A_993, %max3A_945 : vector<8x128xf32>
    %select_n3A_996 = arith.select %gt3A_994, %broadcast_in_dim3A_978, %select_n3A_946 : vector<8x128xi1>, vector<8x128xi32>
    %get3A_997 = arith.constant 0 : index
    %get3A_998 = arith.constant 19840 : index
    %get3A_999 = vector.load %arg1[%get3A_997, %get3A_998] : memref<8x32768xf32, #tpu.memory_space<vmem>>, vector<8x128xf32>
    %gt3A_1000 = arith.cmpf ogt, %get3A_999, %max3A_951 : vector<8x128xf32>
    %max3A_1001 = arith.maximumf %get3A_999, %max3A_951 : vector<8x128xf32>
    %select_n3A_1002 = arith.select %gt3A_1000, %broadcast_in_dim3A_978, %select_n3A_952 : vector<8x128xi1>, vector<8x128xi32>
    %get3A_1003 = arith.constant 0 : index
    %get3A_1004 = arith.constant 19968 : index
    %get3A_1005 = vector.load %arg1[%get3A_1003, %get3A_1004] : memref<8x32768xf32, #tpu.memory_space<vmem>>, vector<8x128xf32>
    %gt3A_1006 = arith.cmpf ogt, %get3A_1005, %max3A_957 : vector<8x128xf32>
    %max3A_1007 = arith.maximumf %get3A_1005, %max3A_957 : vector<8x128xf32>
    %select_n3A_1008 = arith.select %gt3A_1006, %broadcast_in_dim3A_978, %select_n3A_958 : vector<8x128xi1>, vector<8x128xi32>
    %get3A_1009 = arith.constant 0 : index
    %get3A_1010 = arith.constant 20096 : index
    %get3A_1011 = vector.load %arg1[%get3A_1009, %get3A_1010] : memref<8x32768xf32, #tpu.memory_space<vmem>>, vector<8x128xf32>
    %gt3A_1012 = arith.cmpf ogt, %get3A_1011, %max3A_963 : vector<8x128xf32>
    %max3A_1013 = arith.maximumf %get3A_1011, %max3A_963 : vector<8x128xf32>
    %select_n3A_1014 = arith.select %gt3A_1012, %broadcast_in_dim3A_978, %select_n3A_964 : vector<8x128xi1>, vector<8x128xi32>
    %get3A_1015 = arith.constant 0 : index
    %get3A_1016 = arith.constant 20224 : index
    %get3A_1017 = vector.load %arg1[%get3A_1015, %get3A_1016] : memref<8x32768xf32, #tpu.memory_space<vmem>>, vector<8x128xf32>
    %gt3A_1018 = arith.cmpf ogt, %get3A_1017, %max3A_969 : vector<8x128xf32>
    %max3A_1019 = arith.maximumf %get3A_1017, %max3A_969 : vector<8x128xf32>
    %select_n3A_1020 = arith.select %gt3A_1018, %broadcast_in_dim3A_978, %select_n3A_970 : vector<8x128xi1>, vector<8x128xi32>
    %get3A_1021 = arith.constant 0 : index
    %get3A_1022 = arith.constant 20352 : index
    %get3A_1023 = vector.load %arg1[%get3A_1021, %get3A_1022] : memref<8x32768xf32, #tpu.memory_space<vmem>>, vector<8x128xf32>
    %gt3A_1024 = arith.cmpf ogt, %get3A_1023, %max3A_975 : vector<8x128xf32>
    %max3A_1025 = arith.maximumf %get3A_1023, %max3A_975 : vector<8x128xf32>
    %select_n3A_1026 = arith.select %gt3A_1024, %broadcast_in_dim3A_978, %select_n3A_976 : vector<8x128xi1>, vector<8x128xi32>
    %broadcast_in_dim3A_1027 = arith.constant 20 : i32
    %broadcast_in_dim3A_1028 = vector.broadcast %broadcast_in_dim3A_1027 : i32 to vector<8x128xi32>
    %get3A_1029 = arith.constant 0 : index
    %get3A_1030 = arith.constant 20480 : index
    %get3A_1031 = vector.load %arg1[%get3A_1029, %get3A_1030] : memref<8x32768xf32, #tpu.memory_space<vmem>>, vector<8x128xf32>
    %gt3A_1032 = arith.cmpf ogt, %get3A_1031, %max3A_983 : vector<8x128xf32>
    %max3A_1033 = arith.maximumf %get3A_1031, %max3A_983 : vector<8x128xf32>
    %select_n3A_1034 = arith.select %gt3A_1032, %broadcast_in_dim3A_1028, %select_n3A_984 : vector<8x128xi1>, vector<8x128xi32>
    %get3A_1035 = arith.constant 0 : index
    %get3A_1036 = arith.constant 20608 : index
    %get3A_1037 = vector.load %arg1[%get3A_1035, %get3A_1036] : memref<8x32768xf32, #tpu.memory_space<vmem>>, vector<8x128xf32>
    %gt3A_1038 = arith.cmpf ogt, %get3A_1037, %max3A_989 : vector<8x128xf32>
    %max3A_1039 = arith.maximumf %get3A_1037, %max3A_989 : vector<8x128xf32>
    %select_n3A_1040 = arith.select %gt3A_1038, %broadcast_in_dim3A_1028, %select_n3A_990 : vector<8x128xi1>, vector<8x128xi32>
    %get3A_1041 = arith.constant 0 : index
    %get3A_1042 = arith.constant 20736 : index
    %get3A_1043 = vector.load %arg1[%get3A_1041, %get3A_1042] : memref<8x32768xf32, #tpu.memory_space<vmem>>, vector<8x128xf32>
    %gt3A_1044 = arith.cmpf ogt, %get3A_1043, %max3A_995 : vector<8x128xf32>
    %max3A_1045 = arith.maximumf %get3A_1043, %max3A_995 : vector<8x128xf32>
    %select_n3A_1046 = arith.select %gt3A_1044, %broadcast_in_dim3A_1028, %select_n3A_996 : vector<8x128xi1>, vector<8x128xi32>
    %get3A_1047 = arith.constant 0 : index
    %get3A_1048 = arith.constant 20864 : index
    %get3A_1049 = vector.load %arg1[%get3A_1047, %get3A_1048] : memref<8x32768xf32, #tpu.memory_space<vmem>>, vector<8x128xf32>
    %gt3A_1050 = arith.cmpf ogt, %get3A_1049, %max3A_1001 : vector<8x128xf32>
    %max3A_1051 = arith.maximumf %get3A_1049, %max3A_1001 : vector<8x128xf32>
    %select_n3A_1052 = arith.select %gt3A_1050, %broadcast_in_dim3A_1028, %select_n3A_1002 : vector<8x128xi1>, vector<8x128xi32>
    %get3A_1053 = arith.constant 0 : index
    %get3A_1054 = arith.constant 20992 : index
    %get3A_1055 = vector.load %arg1[%get3A_1053, %get3A_1054] : memref<8x32768xf32, #tpu.memory_space<vmem>>, vector<8x128xf32>
    %gt3A_1056 = arith.cmpf ogt, %get3A_1055, %max3A_1007 : vector<8x128xf32>
    %max3A_1057 = arith.maximumf %get3A_1055, %max3A_1007 : vector<8x128xf32>
    %select_n3A_1058 = arith.select %gt3A_1056, %broadcast_in_dim3A_1028, %select_n3A_1008 : vector<8x128xi1>, vector<8x128xi32>
    %get3A_1059 = arith.constant 0 : index
    %get3A_1060 = arith.constant 21120 : index
    %get3A_1061 = vector.load %arg1[%get3A_1059, %get3A_1060] : memref<8x32768xf32, #tpu.memory_space<vmem>>, vector<8x128xf32>
    %gt3A_1062 = arith.cmpf ogt, %get3A_1061, %max3A_1013 : vector<8x128xf32>
    %max3A_1063 = arith.maximumf %get3A_1061, %max3A_1013 : vector<8x128xf32>
    %select_n3A_1064 = arith.select %gt3A_1062, %broadcast_in_dim3A_1028, %select_n3A_1014 : vector<8x128xi1>, vector<8x128xi32>
    %get3A_1065 = arith.constant 0 : index
    %get3A_1066 = arith.constant 21248 : index
    %get3A_1067 = vector.load %arg1[%get3A_1065, %get3A_1066] : memref<8x32768xf32, #tpu.memory_space<vmem>>, vector<8x128xf32>
    %gt3A_1068 = arith.cmpf ogt, %get3A_1067, %max3A_1019 : vector<8x128xf32>
    %max3A_1069 = arith.maximumf %get3A_1067, %max3A_1019 : vector<8x128xf32>
    %select_n3A_1070 = arith.select %gt3A_1068, %broadcast_in_dim3A_1028, %select_n3A_1020 : vector<8x128xi1>, vector<8x128xi32>
    %get3A_1071 = arith.constant 0 : index
    %get3A_1072 = arith.constant 21376 : index
    %get3A_1073 = vector.load %arg1[%get3A_1071, %get3A_1072] : memref<8x32768xf32, #tpu.memory_space<vmem>>, vector<8x128xf32>
    %gt3A_1074 = arith.cmpf ogt, %get3A_1073, %max3A_1025 : vector<8x128xf32>
    %max3A_1075 = arith.maximumf %get3A_1073, %max3A_1025 : vector<8x128xf32>
    %select_n3A_1076 = arith.select %gt3A_1074, %broadcast_in_dim3A_1028, %select_n3A_1026 : vector<8x128xi1>, vector<8x128xi32>
    %broadcast_in_dim3A_1077 = arith.constant 21 : i32
    %broadcast_in_dim3A_1078 = vector.broadcast %broadcast_in_dim3A_1077 : i32 to vector<8x128xi32>
    %get3A_1079 = arith.constant 0 : index
    %get3A_1080 = arith.constant 21504 : index
    %get3A_1081 = vector.load %arg1[%get3A_1079, %get3A_1080] : memref<8x32768xf32, #tpu.memory_space<vmem>>, vector<8x128xf32>
    %gt3A_1082 = arith.cmpf ogt, %get3A_1081, %max3A_1033 : vector<8x128xf32>
    %max3A_1083 = arith.maximumf %get3A_1081, %max3A_1033 : vector<8x128xf32>
    %select_n3A_1084 = arith.select %gt3A_1082, %broadcast_in_dim3A_1078, %select_n3A_1034 : vector<8x128xi1>, vector<8x128xi32>
    %get3A_1085 = arith.constant 0 : index
    %get3A_1086 = arith.constant 21632 : index
    %get3A_1087 = vector.load %arg1[%get3A_1085, %get3A_1086] : memref<8x32768xf32, #tpu.memory_space<vmem>>, vector<8x128xf32>
    %gt3A_1088 = arith.cmpf ogt, %get3A_1087, %max3A_1039 : vector<8x128xf32>
    %max3A_1089 = arith.maximumf %get3A_1087, %max3A_1039 : vector<8x128xf32>
    %select_n3A_1090 = arith.select %gt3A_1088, %broadcast_in_dim3A_1078, %select_n3A_1040 : vector<8x128xi1>, vector<8x128xi32>
    %get3A_1091 = arith.constant 0 : index
    %get3A_1092 = arith.constant 21760 : index
    %get3A_1093 = vector.load %arg1[%get3A_1091, %get3A_1092] : memref<8x32768xf32, #tpu.memory_space<vmem>>, vector<8x128xf32>
    %gt3A_1094 = arith.cmpf ogt, %get3A_1093, %max3A_1045 : vector<8x128xf32>
    %max3A_1095 = arith.maximumf %get3A_1093, %max3A_1045 : vector<8x128xf32>
    %select_n3A_1096 = arith.select %gt3A_1094, %broadcast_in_dim3A_1078, %select_n3A_1046 : vector<8x128xi1>, vector<8x128xi32>
    %get3A_1097 = arith.constant 0 : index
    %get3A_1098 = arith.constant 21888 : index
    %get3A_1099 = vector.load %arg1[%get3A_1097, %get3A_1098] : memref<8x32768xf32, #tpu.memory_space<vmem>>, vector<8x128xf32>
    %gt3A_1100 = arith.cmpf ogt, %get3A_1099, %max3A_1051 : vector<8x128xf32>
    %max3A_1101 = arith.maximumf %get3A_1099, %max3A_1051 : vector<8x128xf32>
    %select_n3A_1102 = arith.select %gt3A_1100, %broadcast_in_dim3A_1078, %select_n3A_1052 : vector<8x128xi1>, vector<8x128xi32>
    %get3A_1103 = arith.constant 0 : index
    %get3A_1104 = arith.constant 22016 : index
    %get3A_1105 = vector.load %arg1[%get3A_1103, %get3A_1104] : memref<8x32768xf32, #tpu.memory_space<vmem>>, vector<8x128xf32>
    %gt3A_1106 = arith.cmpf ogt, %get3A_1105, %max3A_1057 : vector<8x128xf32>
    %max3A_1107 = arith.maximumf %get3A_1105, %max3A_1057 : vector<8x128xf32>
    %select_n3A_1108 = arith.select %gt3A_1106, %broadcast_in_dim3A_1078, %select_n3A_1058 : vector<8x128xi1>, vector<8x128xi32>
    %get3A_1109 = arith.constant 0 : index
    %get3A_1110 = arith.constant 22144 : index
    %get3A_1111 = vector.load %arg1[%get3A_1109, %get3A_1110] : memref<8x32768xf32, #tpu.memory_space<vmem>>, vector<8x128xf32>
    %gt3A_1112 = arith.cmpf ogt, %get3A_1111, %max3A_1063 : vector<8x128xf32>
    %max3A_1113 = arith.maximumf %get3A_1111, %max3A_1063 : vector<8x128xf32>
    %select_n3A_1114 = arith.select %gt3A_1112, %broadcast_in_dim3A_1078, %select_n3A_1064 : vector<8x128xi1>, vector<8x128xi32>
    %get3A_1115 = arith.constant 0 : index
    %get3A_1116 = arith.constant 22272 : index
    %get3A_1117 = vector.load %arg1[%get3A_1115, %get3A_1116] : memref<8x32768xf32, #tpu.memory_space<vmem>>, vector<8x128xf32>
    %gt3A_1118 = arith.cmpf ogt, %get3A_1117, %max3A_1069 : vector<8x128xf32>
    %max3A_1119 = arith.maximumf %get3A_1117, %max3A_1069 : vector<8x128xf32>
    %select_n3A_1120 = arith.select %gt3A_1118, %broadcast_in_dim3A_1078, %select_n3A_1070 : vector<8x128xi1>, vector<8x128xi32>
    %get3A_1121 = arith.constant 0 : index
    %get3A_1122 = arith.constant 22400 : index
    %get3A_1123 = vector.load %arg1[%get3A_1121, %get3A_1122] : memref<8x32768xf32, #tpu.memory_space<vmem>>, vector<8x128xf32>
    %gt3A_1124 = arith.cmpf ogt, %get3A_1123, %max3A_1075 : vector<8x128xf32>
    %max3A_1125 = arith.maximumf %get3A_1123, %max3A_1075 : vector<8x128xf32>
    %select_n3A_1126 = arith.select %gt3A_1124, %broadcast_in_dim3A_1078, %select_n3A_1076 : vector<8x128xi1>, vector<8x128xi32>
    %broadcast_in_dim3A_1127 = arith.constant 22 : i32
    %broadcast_in_dim3A_1128 = vector.broadcast %broadcast_in_dim3A_1127 : i32 to vector<8x128xi32>
    %get3A_1129 = arith.constant 0 : index
    %get3A_1130 = arith.constant 22528 : index
    %get3A_1131 = vector.load %arg1[%get3A_1129, %get3A_1130] : memref<8x32768xf32, #tpu.memory_space<vmem>>, vector<8x128xf32>
    %gt3A_1132 = arith.cmpf ogt, %get3A_1131, %max3A_1083 : vector<8x128xf32>
    %max3A_1133 = arith.maximumf %get3A_1131, %max3A_1083 : vector<8x128xf32>
    %select_n3A_1134 = arith.select %gt3A_1132, %broadcast_in_dim3A_1128, %select_n3A_1084 : vector<8x128xi1>, vector<8x128xi32>
    %get3A_1135 = arith.constant 0 : index
    %get3A_1136 = arith.constant 22656 : index
    %get3A_1137 = vector.load %arg1[%get3A_1135, %get3A_1136] : memref<8x32768xf32, #tpu.memory_space<vmem>>, vector<8x128xf32>
    %gt3A_1138 = arith.cmpf ogt, %get3A_1137, %max3A_1089 : vector<8x128xf32>
    %max3A_1139 = arith.maximumf %get3A_1137, %max3A_1089 : vector<8x128xf32>
    %select_n3A_1140 = arith.select %gt3A_1138, %broadcast_in_dim3A_1128, %select_n3A_1090 : vector<8x128xi1>, vector<8x128xi32>
    %get3A_1141 = arith.constant 0 : index
    %get3A_1142 = arith.constant 22784 : index
    %get3A_1143 = vector.load %arg1[%get3A_1141, %get3A_1142] : memref<8x32768xf32, #tpu.memory_space<vmem>>, vector<8x128xf32>
    %gt3A_1144 = arith.cmpf ogt, %get3A_1143, %max3A_1095 : vector<8x128xf32>
    %max3A_1145 = arith.maximumf %get3A_1143, %max3A_1095 : vector<8x128xf32>
    %select_n3A_1146 = arith.select %gt3A_1144, %broadcast_in_dim3A_1128, %select_n3A_1096 : vector<8x128xi1>, vector<8x128xi32>
    %get3A_1147 = arith.constant 0 : index
    %get3A_1148 = arith.constant 22912 : index
    %get3A_1149 = vector.load %arg1[%get3A_1147, %get3A_1148] : memref<8x32768xf32, #tpu.memory_space<vmem>>, vector<8x128xf32>
    %gt3A_1150 = arith.cmpf ogt, %get3A_1149, %max3A_1101 : vector<8x128xf32>
    %max3A_1151 = arith.maximumf %get3A_1149, %max3A_1101 : vector<8x128xf32>
    %select_n3A_1152 = arith.select %gt3A_1150, %broadcast_in_dim3A_1128, %select_n3A_1102 : vector<8x128xi1>, vector<8x128xi32>
    %get3A_1153 = arith.constant 0 : index
    %get3A_1154 = arith.constant 23040 : index
    %get3A_1155 = vector.load %arg1[%get3A_1153, %get3A_1154] : memref<8x32768xf32, #tpu.memory_space<vmem>>, vector<8x128xf32>
    %gt3A_1156 = arith.cmpf ogt, %get3A_1155, %max3A_1107 : vector<8x128xf32>
    %max3A_1157 = arith.maximumf %get3A_1155, %max3A_1107 : vector<8x128xf32>
    %select_n3A_1158 = arith.select %gt3A_1156, %broadcast_in_dim3A_1128, %select_n3A_1108 : vector<8x128xi1>, vector<8x128xi32>
    %get3A_1159 = arith.constant 0 : index
    %get3A_1160 = arith.constant 23168 : index
    %get3A_1161 = vector.load %arg1[%get3A_1159, %get3A_1160] : memref<8x32768xf32, #tpu.memory_space<vmem>>, vector<8x128xf32>
    %gt3A_1162 = arith.cmpf ogt, %get3A_1161, %max3A_1113 : vector<8x128xf32>
    %max3A_1163 = arith.maximumf %get3A_1161, %max3A_1113 : vector<8x128xf32>
    %select_n3A_1164 = arith.select %gt3A_1162, %broadcast_in_dim3A_1128, %select_n3A_1114 : vector<8x128xi1>, vector<8x128xi32>
    %get3A_1165 = arith.constant 0 : index
    %get3A_1166 = arith.constant 23296 : index
    %get3A_1167 = vector.load %arg1[%get3A_1165, %get3A_1166] : memref<8x32768xf32, #tpu.memory_space<vmem>>, vector<8x128xf32>
    %gt3A_1168 = arith.cmpf ogt, %get3A_1167, %max3A_1119 : vector<8x128xf32>
    %max3A_1169 = arith.maximumf %get3A_1167, %max3A_1119 : vector<8x128xf32>
    %select_n3A_1170 = arith.select %gt3A_1168, %broadcast_in_dim3A_1128, %select_n3A_1120 : vector<8x128xi1>, vector<8x128xi32>
    %get3A_1171 = arith.constant 0 : index
    %get3A_1172 = arith.constant 23424 : index
    %get3A_1173 = vector.load %arg1[%get3A_1171, %get3A_1172] : memref<8x32768xf32, #tpu.memory_space<vmem>>, vector<8x128xf32>
    %gt3A_1174 = arith.cmpf ogt, %get3A_1173, %max3A_1125 : vector<8x128xf32>
    %max3A_1175 = arith.maximumf %get3A_1173, %max3A_1125 : vector<8x128xf32>
    %select_n3A_1176 = arith.select %gt3A_1174, %broadcast_in_dim3A_1128, %select_n3A_1126 : vector<8x128xi1>, vector<8x128xi32>
    %broadcast_in_dim3A_1177 = arith.constant 23 : i32
    %broadcast_in_dim3A_1178 = vector.broadcast %broadcast_in_dim3A_1177 : i32 to vector<8x128xi32>
    %get3A_1179 = arith.constant 0 : index
    %get3A_1180 = arith.constant 23552 : index
    %get3A_1181 = vector.load %arg1[%get3A_1179, %get3A_1180] : memref<8x32768xf32, #tpu.memory_space<vmem>>, vector<8x128xf32>
    %gt3A_1182 = arith.cmpf ogt, %get3A_1181, %max3A_1133 : vector<8x128xf32>
    %max3A_1183 = arith.maximumf %get3A_1181, %max3A_1133 : vector<8x128xf32>
    %select_n3A_1184 = arith.select %gt3A_1182, %broadcast_in_dim3A_1178, %select_n3A_1134 : vector<8x128xi1>, vector<8x128xi32>
    %get3A_1185 = arith.constant 0 : index
    %get3A_1186 = arith.constant 23680 : index
    %get3A_1187 = vector.load %arg1[%get3A_1185, %get3A_1186] : memref<8x32768xf32, #tpu.memory_space<vmem>>, vector<8x128xf32>
    %gt3A_1188 = arith.cmpf ogt, %get3A_1187, %max3A_1139 : vector<8x128xf32>
    %max3A_1189 = arith.maximumf %get3A_1187, %max3A_1139 : vector<8x128xf32>
    %select_n3A_1190 = arith.select %gt3A_1188, %broadcast_in_dim3A_1178, %select_n3A_1140 : vector<8x128xi1>, vector<8x128xi32>
    %get3A_1191 = arith.constant 0 : index
    %get3A_1192 = arith.constant 23808 : index
    %get3A_1193 = vector.load %arg1[%get3A_1191, %get3A_1192] : memref<8x32768xf32, #tpu.memory_space<vmem>>, vector<8x128xf32>
    %gt3A_1194 = arith.cmpf ogt, %get3A_1193, %max3A_1145 : vector<8x128xf32>
    %max3A_1195 = arith.maximumf %get3A_1193, %max3A_1145 : vector<8x128xf32>
    %select_n3A_1196 = arith.select %gt3A_1194, %broadcast_in_dim3A_1178, %select_n3A_1146 : vector<8x128xi1>, vector<8x128xi32>
    %get3A_1197 = arith.constant 0 : index
    %get3A_1198 = arith.constant 23936 : index
    %get3A_1199 = vector.load %arg1[%get3A_1197, %get3A_1198] : memref<8x32768xf32, #tpu.memory_space<vmem>>, vector<8x128xf32>
    %gt3A_1200 = arith.cmpf ogt, %get3A_1199, %max3A_1151 : vector<8x128xf32>
    %max3A_1201 = arith.maximumf %get3A_1199, %max3A_1151 : vector<8x128xf32>
    %select_n3A_1202 = arith.select %gt3A_1200, %broadcast_in_dim3A_1178, %select_n3A_1152 : vector<8x128xi1>, vector<8x128xi32>
    %get3A_1203 = arith.constant 0 : index
    %get3A_1204 = arith.constant 24064 : index
    %get3A_1205 = vector.load %arg1[%get3A_1203, %get3A_1204] : memref<8x32768xf32, #tpu.memory_space<vmem>>, vector<8x128xf32>
    %gt3A_1206 = arith.cmpf ogt, %get3A_1205, %max3A_1157 : vector<8x128xf32>
    %max3A_1207 = arith.maximumf %get3A_1205, %max3A_1157 : vector<8x128xf32>
    %select_n3A_1208 = arith.select %gt3A_1206, %broadcast_in_dim3A_1178, %select_n3A_1158 : vector<8x128xi1>, vector<8x128xi32>
    %get3A_1209 = arith.constant 0 : index
    %get3A_1210 = arith.constant 24192 : index
    %get3A_1211 = vector.load %arg1[%get3A_1209, %get3A_1210] : memref<8x32768xf32, #tpu.memory_space<vmem>>, vector<8x128xf32>
    %gt3A_1212 = arith.cmpf ogt, %get3A_1211, %max3A_1163 : vector<8x128xf32>
    %max3A_1213 = arith.maximumf %get3A_1211, %max3A_1163 : vector<8x128xf32>
    %select_n3A_1214 = arith.select %gt3A_1212, %broadcast_in_dim3A_1178, %select_n3A_1164 : vector<8x128xi1>, vector<8x128xi32>
    %get3A_1215 = arith.constant 0 : index
    %get3A_1216 = arith.constant 24320 : index
    %get3A_1217 = vector.load %arg1[%get3A_1215, %get3A_1216] : memref<8x32768xf32, #tpu.memory_space<vmem>>, vector<8x128xf32>
    %gt3A_1218 = arith.cmpf ogt, %get3A_1217, %max3A_1169 : vector<8x128xf32>
    %max3A_1219 = arith.maximumf %get3A_1217, %max3A_1169 : vector<8x128xf32>
    %select_n3A_1220 = arith.select %gt3A_1218, %broadcast_in_dim3A_1178, %select_n3A_1170 : vector<8x128xi1>, vector<8x128xi32>
    %get3A_1221 = arith.constant 0 : index
    %get3A_1222 = arith.constant 24448 : index
    %get3A_1223 = vector.load %arg1[%get3A_1221, %get3A_1222] : memref<8x32768xf32, #tpu.memory_space<vmem>>, vector<8x128xf32>
    %gt3A_1224 = arith.cmpf ogt, %get3A_1223, %max3A_1175 : vector<8x128xf32>
    %max3A_1225 = arith.maximumf %get3A_1223, %max3A_1175 : vector<8x128xf32>
    %select_n3A_1226 = arith.select %gt3A_1224, %broadcast_in_dim3A_1178, %select_n3A_1176 : vector<8x128xi1>, vector<8x128xi32>
    %broadcast_in_dim3A_1227 = arith.constant 24 : i32
    %broadcast_in_dim3A_1228 = vector.broadcast %broadcast_in_dim3A_1227 : i32 to vector<8x128xi32>
    %get3A_1229 = arith.constant 0 : index
    %get3A_1230 = arith.constant 24576 : index
    %get3A_1231 = vector.load %arg1[%get3A_1229, %get3A_1230] : memref<8x32768xf32, #tpu.memory_space<vmem>>, vector<8x128xf32>
    %gt3A_1232 = arith.cmpf ogt, %get3A_1231, %max3A_1183 : vector<8x128xf32>
    %max3A_1233 = arith.maximumf %get3A_1231, %max3A_1183 : vector<8x128xf32>
    %select_n3A_1234 = arith.select %gt3A_1232, %broadcast_in_dim3A_1228, %select_n3A_1184 : vector<8x128xi1>, vector<8x128xi32>
    %get3A_1235 = arith.constant 0 : index
    %get3A_1236 = arith.constant 24704 : index
    %get3A_1237 = vector.load %arg1[%get3A_1235, %get3A_1236] : memref<8x32768xf32, #tpu.memory_space<vmem>>, vector<8x128xf32>
    %gt3A_1238 = arith.cmpf ogt, %get3A_1237, %max3A_1189 : vector<8x128xf32>
    %max3A_1239 = arith.maximumf %get3A_1237, %max3A_1189 : vector<8x128xf32>
    %select_n3A_1240 = arith.select %gt3A_1238, %broadcast_in_dim3A_1228, %select_n3A_1190 : vector<8x128xi1>, vector<8x128xi32>
    %get3A_1241 = arith.constant 0 : index
    %get3A_1242 = arith.constant 24832 : index
    %get3A_1243 = vector.load %arg1[%get3A_1241, %get3A_1242] : memref<8x32768xf32, #tpu.memory_space<vmem>>, vector<8x128xf32>
    %gt3A_1244 = arith.cmpf ogt, %get3A_1243, %max3A_1195 : vector<8x128xf32>
    %max3A_1245 = arith.maximumf %get3A_1243, %max3A_1195 : vector<8x128xf32>
    %select_n3A_1246 = arith.select %gt3A_1244, %broadcast_in_dim3A_1228, %select_n3A_1196 : vector<8x128xi1>, vector<8x128xi32>
    %get3A_1247 = arith.constant 0 : index
    %get3A_1248 = arith.constant 24960 : index
    %get3A_1249 = vector.load %arg1[%get3A_1247, %get3A_1248] : memref<8x32768xf32, #tpu.memory_space<vmem>>, vector<8x128xf32>
    %gt3A_1250 = arith.cmpf ogt, %get3A_1249, %max3A_1201 : vector<8x128xf32>
    %max3A_1251 = arith.maximumf %get3A_1249, %max3A_1201 : vector<8x128xf32>
    %select_n3A_1252 = arith.select %gt3A_1250, %broadcast_in_dim3A_1228, %select_n3A_1202 : vector<8x128xi1>, vector<8x128xi32>
    %get3A_1253 = arith.constant 0 : index
    %get3A_1254 = arith.constant 25088 : index
    %get3A_1255 = vector.load %arg1[%get3A_1253, %get3A_1254] : memref<8x32768xf32, #tpu.memory_space<vmem>>, vector<8x128xf32>
    %gt3A_1256 = arith.cmpf ogt, %get3A_1255, %max3A_1207 : vector<8x128xf32>
    %max3A_1257 = arith.maximumf %get3A_1255, %max3A_1207 : vector<8x128xf32>
    %select_n3A_1258 = arith.select %gt3A_1256, %broadcast_in_dim3A_1228, %select_n3A_1208 : vector<8x128xi1>, vector<8x128xi32>
    %get3A_1259 = arith.constant 0 : index
    %get3A_1260 = arith.constant 25216 : index
    %get3A_1261 = vector.load %arg1[%get3A_1259, %get3A_1260] : memref<8x32768xf32, #tpu.memory_space<vmem>>, vector<8x128xf32>
    %gt3A_1262 = arith.cmpf ogt, %get3A_1261, %max3A_1213 : vector<8x128xf32>
    %max3A_1263 = arith.maximumf %get3A_1261, %max3A_1213 : vector<8x128xf32>
    %select_n3A_1264 = arith.select %gt3A_1262, %broadcast_in_dim3A_1228, %select_n3A_1214 : vector<8x128xi1>, vector<8x128xi32>
    %get3A_1265 = arith.constant 0 : index
    %get3A_1266 = arith.constant 25344 : index
    %get3A_1267 = vector.load %arg1[%get3A_1265, %get3A_1266] : memref<8x32768xf32, #tpu.memory_space<vmem>>, vector<8x128xf32>
    %gt3A_1268 = arith.cmpf ogt, %get3A_1267, %max3A_1219 : vector<8x128xf32>
    %max3A_1269 = arith.maximumf %get3A_1267, %max3A_1219 : vector<8x128xf32>
    %select_n3A_1270 = arith.select %gt3A_1268, %broadcast_in_dim3A_1228, %select_n3A_1220 : vector<8x128xi1>, vector<8x128xi32>
    %get3A_1271 = arith.constant 0 : index
    %get3A_1272 = arith.constant 25472 : index
    %get3A_1273 = vector.load %arg1[%get3A_1271, %get3A_1272] : memref<8x32768xf32, #tpu.memory_space<vmem>>, vector<8x128xf32>
    %gt3A_1274 = arith.cmpf ogt, %get3A_1273, %max3A_1225 : vector<8x128xf32>
    %max3A_1275 = arith.maximumf %get3A_1273, %max3A_1225 : vector<8x128xf32>
    %select_n3A_1276 = arith.select %gt3A_1274, %broadcast_in_dim3A_1228, %select_n3A_1226 : vector<8x128xi1>, vector<8x128xi32>
    %broadcast_in_dim3A_1277 = arith.constant 25 : i32
    %broadcast_in_dim3A_1278 = vector.broadcast %broadcast_in_dim3A_1277 : i32 to vector<8x128xi32>
    %get3A_1279 = arith.constant 0 : index
    %get3A_1280 = arith.constant 25600 : index
    %get3A_1281 = vector.load %arg1[%get3A_1279, %get3A_1280] : memref<8x32768xf32, #tpu.memory_space<vmem>>, vector<8x128xf32>
    %gt3A_1282 = arith.cmpf ogt, %get3A_1281, %max3A_1233 : vector<8x128xf32>
    %max3A_1283 = arith.maximumf %get3A_1281, %max3A_1233 : vector<8x128xf32>
    %select_n3A_1284 = arith.select %gt3A_1282, %broadcast_in_dim3A_1278, %select_n3A_1234 : vector<8x128xi1>, vector<8x128xi32>
    %get3A_1285 = arith.constant 0 : index
    %get3A_1286 = arith.constant 25728 : index
    %get3A_1287 = vector.load %arg1[%get3A_1285, %get3A_1286] : memref<8x32768xf32, #tpu.memory_space<vmem>>, vector<8x128xf32>
    %gt3A_1288 = arith.cmpf ogt, %get3A_1287, %max3A_1239 : vector<8x128xf32>
    %max3A_1289 = arith.maximumf %get3A_1287, %max3A_1239 : vector<8x128xf32>
    %select_n3A_1290 = arith.select %gt3A_1288, %broadcast_in_dim3A_1278, %select_n3A_1240 : vector<8x128xi1>, vector<8x128xi32>
    %get3A_1291 = arith.constant 0 : index
    %get3A_1292 = arith.constant 25856 : index
    %get3A_1293 = vector.load %arg1[%get3A_1291, %get3A_1292] : memref<8x32768xf32, #tpu.memory_space<vmem>>, vector<8x128xf32>
    %gt3A_1294 = arith.cmpf ogt, %get3A_1293, %max3A_1245 : vector<8x128xf32>
    %max3A_1295 = arith.maximumf %get3A_1293, %max3A_1245 : vector<8x128xf32>
    %select_n3A_1296 = arith.select %gt3A_1294, %broadcast_in_dim3A_1278, %select_n3A_1246 : vector<8x128xi1>, vector<8x128xi32>
    %get3A_1297 = arith.constant 0 : index
    %get3A_1298 = arith.constant 25984 : index
    %get3A_1299 = vector.load %arg1[%get3A_1297, %get3A_1298] : memref<8x32768xf32, #tpu.memory_space<vmem>>, vector<8x128xf32>
    %gt3A_1300 = arith.cmpf ogt, %get3A_1299, %max3A_1251 : vector<8x128xf32>
    %max3A_1301 = arith.maximumf %get3A_1299, %max3A_1251 : vector<8x128xf32>
    %select_n3A_1302 = arith.select %gt3A_1300, %broadcast_in_dim3A_1278, %select_n3A_1252 : vector<8x128xi1>, vector<8x128xi32>
    %get3A_1303 = arith.constant 0 : index
    %get3A_1304 = arith.constant 26112 : index
    %get3A_1305 = vector.load %arg1[%get3A_1303, %get3A_1304] : memref<8x32768xf32, #tpu.memory_space<vmem>>, vector<8x128xf32>
    %gt3A_1306 = arith.cmpf ogt, %get3A_1305, %max3A_1257 : vector<8x128xf32>
    %max3A_1307 = arith.maximumf %get3A_1305, %max3A_1257 : vector<8x128xf32>
    %select_n3A_1308 = arith.select %gt3A_1306, %broadcast_in_dim3A_1278, %select_n3A_1258 : vector<8x128xi1>, vector<8x128xi32>
    %get3A_1309 = arith.constant 0 : index
    %get3A_1310 = arith.constant 26240 : index
    %get3A_1311 = vector.load %arg1[%get3A_1309, %get3A_1310] : memref<8x32768xf32, #tpu.memory_space<vmem>>, vector<8x128xf32>
    %gt3A_1312 = arith.cmpf ogt, %get3A_1311, %max3A_1263 : vector<8x128xf32>
    %max3A_1313 = arith.maximumf %get3A_1311, %max3A_1263 : vector<8x128xf32>
    %select_n3A_1314 = arith.select %gt3A_1312, %broadcast_in_dim3A_1278, %select_n3A_1264 : vector<8x128xi1>, vector<8x128xi32>
    %get3A_1315 = arith.constant 0 : index
    %get3A_1316 = arith.constant 26368 : index
    %get3A_1317 = vector.load %arg1[%get3A_1315, %get3A_1316] : memref<8x32768xf32, #tpu.memory_space<vmem>>, vector<8x128xf32>
    %gt3A_1318 = arith.cmpf ogt, %get3A_1317, %max3A_1269 : vector<8x128xf32>
    %max3A_1319 = arith.maximumf %get3A_1317, %max3A_1269 : vector<8x128xf32>
    %select_n3A_1320 = arith.select %gt3A_1318, %broadcast_in_dim3A_1278, %select_n3A_1270 : vector<8x128xi1>, vector<8x128xi32>
    %get3A_1321 = arith.constant 0 : index
    %get3A_1322 = arith.constant 26496 : index
    %get3A_1323 = vector.load %arg1[%get3A_1321, %get3A_1322] : memref<8x32768xf32, #tpu.memory_space<vmem>>, vector<8x128xf32>
    %gt3A_1324 = arith.cmpf ogt, %get3A_1323, %max3A_1275 : vector<8x128xf32>
    %max3A_1325 = arith.maximumf %get3A_1323, %max3A_1275 : vector<8x128xf32>
    %select_n3A_1326 = arith.select %gt3A_1324, %broadcast_in_dim3A_1278, %select_n3A_1276 : vector<8x128xi1>, vector<8x128xi32>
    %broadcast_in_dim3A_1327 = arith.constant 26 : i32
    %broadcast_in_dim3A_1328 = vector.broadcast %broadcast_in_dim3A_1327 : i32 to vector<8x128xi32>
    %get3A_1329 = arith.constant 0 : index
    %get3A_1330 = arith.constant 26624 : index
    %get3A_1331 = vector.load %arg1[%get3A_1329, %get3A_1330] : memref<8x32768xf32, #tpu.memory_space<vmem>>, vector<8x128xf32>
    %gt3A_1332 = arith.cmpf ogt, %get3A_1331, %max3A_1283 : vector<8x128xf32>
    %max3A_1333 = arith.maximumf %get3A_1331, %max3A_1283 : vector<8x128xf32>
    %select_n3A_1334 = arith.select %gt3A_1332, %broadcast_in_dim3A_1328, %select_n3A_1284 : vector<8x128xi1>, vector<8x128xi32>
    %get3A_1335 = arith.constant 0 : index
    %get3A_1336 = arith.constant 26752 : index
    %get3A_1337 = vector.load %arg1[%get3A_1335, %get3A_1336] : memref<8x32768xf32, #tpu.memory_space<vmem>>, vector<8x128xf32>
    %gt3A_1338 = arith.cmpf ogt, %get3A_1337, %max3A_1289 : vector<8x128xf32>
    %max3A_1339 = arith.maximumf %get3A_1337, %max3A_1289 : vector<8x128xf32>
    %select_n3A_1340 = arith.select %gt3A_1338, %broadcast_in_dim3A_1328, %select_n3A_1290 : vector<8x128xi1>, vector<8x128xi32>
    %get3A_1341 = arith.constant 0 : index
    %get3A_1342 = arith.constant 26880 : index
    %get3A_1343 = vector.load %arg1[%get3A_1341, %get3A_1342] : memref<8x32768xf32, #tpu.memory_space<vmem>>, vector<8x128xf32>
    %gt3A_1344 = arith.cmpf ogt, %get3A_1343, %max3A_1295 : vector<8x128xf32>
    %max3A_1345 = arith.maximumf %get3A_1343, %max3A_1295 : vector<8x128xf32>
    %select_n3A_1346 = arith.select %gt3A_1344, %broadcast_in_dim3A_1328, %select_n3A_1296 : vector<8x128xi1>, vector<8x128xi32>
    %get3A_1347 = arith.constant 0 : index
    %get3A_1348 = arith.constant 27008 : index
    %get3A_1349 = vector.load %arg1[%get3A_1347, %get3A_1348] : memref<8x32768xf32, #tpu.memory_space<vmem>>, vector<8x128xf32>
    %gt3A_1350 = arith.cmpf ogt, %get3A_1349, %max3A_1301 : vector<8x128xf32>
    %max3A_1351 = arith.maximumf %get3A_1349, %max3A_1301 : vector<8x128xf32>
    %select_n3A_1352 = arith.select %gt3A_1350, %broadcast_in_dim3A_1328, %select_n3A_1302 : vector<8x128xi1>, vector<8x128xi32>
    %get3A_1353 = arith.constant 0 : index
    %get3A_1354 = arith.constant 27136 : index
    %get3A_1355 = vector.load %arg1[%get3A_1353, %get3A_1354] : memref<8x32768xf32, #tpu.memory_space<vmem>>, vector<8x128xf32>
    %gt3A_1356 = arith.cmpf ogt, %get3A_1355, %max3A_1307 : vector<8x128xf32>
    %max3A_1357 = arith.maximumf %get3A_1355, %max3A_1307 : vector<8x128xf32>
    %select_n3A_1358 = arith.select %gt3A_1356, %broadcast_in_dim3A_1328, %select_n3A_1308 : vector<8x128xi1>, vector<8x128xi32>
    %get3A_1359 = arith.constant 0 : index
    %get3A_1360 = arith.constant 27264 : index
    %get3A_1361 = vector.load %arg1[%get3A_1359, %get3A_1360] : memref<8x32768xf32, #tpu.memory_space<vmem>>, vector<8x128xf32>
    %gt3A_1362 = arith.cmpf ogt, %get3A_1361, %max3A_1313 : vector<8x128xf32>
    %max3A_1363 = arith.maximumf %get3A_1361, %max3A_1313 : vector<8x128xf32>
    %select_n3A_1364 = arith.select %gt3A_1362, %broadcast_in_dim3A_1328, %select_n3A_1314 : vector<8x128xi1>, vector<8x128xi32>
    %get3A_1365 = arith.constant 0 : index
    %get3A_1366 = arith.constant 27392 : index
    %get3A_1367 = vector.load %arg1[%get3A_1365, %get3A_1366] : memref<8x32768xf32, #tpu.memory_space<vmem>>, vector<8x128xf32>
    %gt3A_1368 = arith.cmpf ogt, %get3A_1367, %max3A_1319 : vector<8x128xf32>
    %max3A_1369 = arith.maximumf %get3A_1367, %max3A_1319 : vector<8x128xf32>
    %select_n3A_1370 = arith.select %gt3A_1368, %broadcast_in_dim3A_1328, %select_n3A_1320 : vector<8x128xi1>, vector<8x128xi32>
    %get3A_1371 = arith.constant 0 : index
    %get3A_1372 = arith.constant 27520 : index
    %get3A_1373 = vector.load %arg1[%get3A_1371, %get3A_1372] : memref<8x32768xf32, #tpu.memory_space<vmem>>, vector<8x128xf32>
    %gt3A_1374 = arith.cmpf ogt, %get3A_1373, %max3A_1325 : vector<8x128xf32>
    %max3A_1375 = arith.maximumf %get3A_1373, %max3A_1325 : vector<8x128xf32>
    %select_n3A_1376 = arith.select %gt3A_1374, %broadcast_in_dim3A_1328, %select_n3A_1326 : vector<8x128xi1>, vector<8x128xi32>
    %broadcast_in_dim3A_1377 = arith.constant 27 : i32
    %broadcast_in_dim3A_1378 = vector.broadcast %broadcast_in_dim3A_1377 : i32 to vector<8x128xi32>
    %get3A_1379 = arith.constant 0 : index
    %get3A_1380 = arith.constant 27648 : index
    %get3A_1381 = vector.load %arg1[%get3A_1379, %get3A_1380] : memref<8x32768xf32, #tpu.memory_space<vmem>>, vector<8x128xf32>
    %gt3A_1382 = arith.cmpf ogt, %get3A_1381, %max3A_1333 : vector<8x128xf32>
    %max3A_1383 = arith.maximumf %get3A_1381, %max3A_1333 : vector<8x128xf32>
    %select_n3A_1384 = arith.select %gt3A_1382, %broadcast_in_dim3A_1378, %select_n3A_1334 : vector<8x128xi1>, vector<8x128xi32>
    %get3A_1385 = arith.constant 0 : index
    %get3A_1386 = arith.constant 27776 : index
    %get3A_1387 = vector.load %arg1[%get3A_1385, %get3A_1386] : memref<8x32768xf32, #tpu.memory_space<vmem>>, vector<8x128xf32>
    %gt3A_1388 = arith.cmpf ogt, %get3A_1387, %max3A_1339 : vector<8x128xf32>
    %max3A_1389 = arith.maximumf %get3A_1387, %max3A_1339 : vector<8x128xf32>
    %select_n3A_1390 = arith.select %gt3A_1388, %broadcast_in_dim3A_1378, %select_n3A_1340 : vector<8x128xi1>, vector<8x128xi32>
    %get3A_1391 = arith.constant 0 : index
    %get3A_1392 = arith.constant 27904 : index
    %get3A_1393 = vector.load %arg1[%get3A_1391, %get3A_1392] : memref<8x32768xf32, #tpu.memory_space<vmem>>, vector<8x128xf32>
    %gt3A_1394 = arith.cmpf ogt, %get3A_1393, %max3A_1345 : vector<8x128xf32>
    %max3A_1395 = arith.maximumf %get3A_1393, %max3A_1345 : vector<8x128xf32>
    %select_n3A_1396 = arith.select %gt3A_1394, %broadcast_in_dim3A_1378, %select_n3A_1346 : vector<8x128xi1>, vector<8x128xi32>
    %get3A_1397 = arith.constant 0 : index
    %get3A_1398 = arith.constant 28032 : index
    %get3A_1399 = vector.load %arg1[%get3A_1397, %get3A_1398] : memref<8x32768xf32, #tpu.memory_space<vmem>>, vector<8x128xf32>
    %gt3A_1400 = arith.cmpf ogt, %get3A_1399, %max3A_1351 : vector<8x128xf32>
    %max3A_1401 = arith.maximumf %get3A_1399, %max3A_1351 : vector<8x128xf32>
    %select_n3A_1402 = arith.select %gt3A_1400, %broadcast_in_dim3A_1378, %select_n3A_1352 : vector<8x128xi1>, vector<8x128xi32>
    %get3A_1403 = arith.constant 0 : index
    %get3A_1404 = arith.constant 28160 : index
    %get3A_1405 = vector.load %arg1[%get3A_1403, %get3A_1404] : memref<8x32768xf32, #tpu.memory_space<vmem>>, vector<8x128xf32>
    %gt3A_1406 = arith.cmpf ogt, %get3A_1405, %max3A_1357 : vector<8x128xf32>
    %max3A_1407 = arith.maximumf %get3A_1405, %max3A_1357 : vector<8x128xf32>
    %select_n3A_1408 = arith.select %gt3A_1406, %broadcast_in_dim3A_1378, %select_n3A_1358 : vector<8x128xi1>, vector<8x128xi32>
    %get3A_1409 = arith.constant 0 : index
    %get3A_1410 = arith.constant 28288 : index
    %get3A_1411 = vector.load %arg1[%get3A_1409, %get3A_1410] : memref<8x32768xf32, #tpu.memory_space<vmem>>, vector<8x128xf32>
    %gt3A_1412 = arith.cmpf ogt, %get3A_1411, %max3A_1363 : vector<8x128xf32>
    %max3A_1413 = arith.maximumf %get3A_1411, %max3A_1363 : vector<8x128xf32>
    %select_n3A_1414 = arith.select %gt3A_1412, %broadcast_in_dim3A_1378, %select_n3A_1364 : vector<8x128xi1>, vector<8x128xi32>
    %get3A_1415 = arith.constant 0 : index
    %get3A_1416 = arith.constant 28416 : index
    %get3A_1417 = vector.load %arg1[%get3A_1415, %get3A_1416] : memref<8x32768xf32, #tpu.memory_space<vmem>>, vector<8x128xf32>
    %gt3A_1418 = arith.cmpf ogt, %get3A_1417, %max3A_1369 : vector<8x128xf32>
    %max3A_1419 = arith.maximumf %get3A_1417, %max3A_1369 : vector<8x128xf32>
    %select_n3A_1420 = arith.select %gt3A_1418, %broadcast_in_dim3A_1378, %select_n3A_1370 : vector<8x128xi1>, vector<8x128xi32>
    %get3A_1421 = arith.constant 0 : index
    %get3A_1422 = arith.constant 28544 : index
    %get3A_1423 = vector.load %arg1[%get3A_1421, %get3A_1422] : memref<8x32768xf32, #tpu.memory_space<vmem>>, vector<8x128xf32>
    %gt3A_1424 = arith.cmpf ogt, %get3A_1423, %max3A_1375 : vector<8x128xf32>
    %max3A_1425 = arith.maximumf %get3A_1423, %max3A_1375 : vector<8x128xf32>
    %select_n3A_1426 = arith.select %gt3A_1424, %broadcast_in_dim3A_1378, %select_n3A_1376 : vector<8x128xi1>, vector<8x128xi32>
    %broadcast_in_dim3A_1427 = arith.constant 28 : i32
    %broadcast_in_dim3A_1428 = vector.broadcast %broadcast_in_dim3A_1427 : i32 to vector<8x128xi32>
    %get3A_1429 = arith.constant 0 : index
    %get3A_1430 = arith.constant 28672 : index
    %get3A_1431 = vector.load %arg1[%get3A_1429, %get3A_1430] : memref<8x32768xf32, #tpu.memory_space<vmem>>, vector<8x128xf32>
    %gt3A_1432 = arith.cmpf ogt, %get3A_1431, %max3A_1383 : vector<8x128xf32>
    %max3A_1433 = arith.maximumf %get3A_1431, %max3A_1383 : vector<8x128xf32>
    %select_n3A_1434 = arith.select %gt3A_1432, %broadcast_in_dim3A_1428, %select_n3A_1384 : vector<8x128xi1>, vector<8x128xi32>
    %get3A_1435 = arith.constant 0 : index
    %get3A_1436 = arith.constant 28800 : index
    %get3A_1437 = vector.load %arg1[%get3A_1435, %get3A_1436] : memref<8x32768xf32, #tpu.memory_space<vmem>>, vector<8x128xf32>
    %gt3A_1438 = arith.cmpf ogt, %get3A_1437, %max3A_1389 : vector<8x128xf32>
    %max3A_1439 = arith.maximumf %get3A_1437, %max3A_1389 : vector<8x128xf32>
    %select_n3A_1440 = arith.select %gt3A_1438, %broadcast_in_dim3A_1428, %select_n3A_1390 : vector<8x128xi1>, vector<8x128xi32>
    %get3A_1441 = arith.constant 0 : index
    %get3A_1442 = arith.constant 28928 : index
    %get3A_1443 = vector.load %arg1[%get3A_1441, %get3A_1442] : memref<8x32768xf32, #tpu.memory_space<vmem>>, vector<8x128xf32>
    %gt3A_1444 = arith.cmpf ogt, %get3A_1443, %max3A_1395 : vector<8x128xf32>
    %max3A_1445 = arith.maximumf %get3A_1443, %max3A_1395 : vector<8x128xf32>
    %select_n3A_1446 = arith.select %gt3A_1444, %broadcast_in_dim3A_1428, %select_n3A_1396 : vector<8x128xi1>, vector<8x128xi32>
    %get3A_1447 = arith.constant 0 : index
    %get3A_1448 = arith.constant 29056 : index
    %get3A_1449 = vector.load %arg1[%get3A_1447, %get3A_1448] : memref<8x32768xf32, #tpu.memory_space<vmem>>, vector<8x128xf32>
    %gt3A_1450 = arith.cmpf ogt, %get3A_1449, %max3A_1401 : vector<8x128xf32>
    %max3A_1451 = arith.maximumf %get3A_1449, %max3A_1401 : vector<8x128xf32>
    %select_n3A_1452 = arith.select %gt3A_1450, %broadcast_in_dim3A_1428, %select_n3A_1402 : vector<8x128xi1>, vector<8x128xi32>
    %get3A_1453 = arith.constant 0 : index
    %get3A_1454 = arith.constant 29184 : index
    %get3A_1455 = vector.load %arg1[%get3A_1453, %get3A_1454] : memref<8x32768xf32, #tpu.memory_space<vmem>>, vector<8x128xf32>
    %gt3A_1456 = arith.cmpf ogt, %get3A_1455, %max3A_1407 : vector<8x128xf32>
    %max3A_1457 = arith.maximumf %get3A_1455, %max3A_1407 : vector<8x128xf32>
    %select_n3A_1458 = arith.select %gt3A_1456, %broadcast_in_dim3A_1428, %select_n3A_1408 : vector<8x128xi1>, vector<8x128xi32>
    %get3A_1459 = arith.constant 0 : index
    %get3A_1460 = arith.constant 29312 : index
    %get3A_1461 = vector.load %arg1[%get3A_1459, %get3A_1460] : memref<8x32768xf32, #tpu.memory_space<vmem>>, vector<8x128xf32>
    %gt3A_1462 = arith.cmpf ogt, %get3A_1461, %max3A_1413 : vector<8x128xf32>
    %max3A_1463 = arith.maximumf %get3A_1461, %max3A_1413 : vector<8x128xf32>
    %select_n3A_1464 = arith.select %gt3A_1462, %broadcast_in_dim3A_1428, %select_n3A_1414 : vector<8x128xi1>, vector<8x128xi32>
    %get3A_1465 = arith.constant 0 : index
    %get3A_1466 = arith.constant 29440 : index
    %get3A_1467 = vector.load %arg1[%get3A_1465, %get3A_1466] : memref<8x32768xf32, #tpu.memory_space<vmem>>, vector<8x128xf32>
    %gt3A_1468 = arith.cmpf ogt, %get3A_1467, %max3A_1419 : vector<8x128xf32>
    %max3A_1469 = arith.maximumf %get3A_1467, %max3A_1419 : vector<8x128xf32>
    %select_n3A_1470 = arith.select %gt3A_1468, %broadcast_in_dim3A_1428, %select_n3A_1420 : vector<8x128xi1>, vector<8x128xi32>
    %get3A_1471 = arith.constant 0 : index
    %get3A_1472 = arith.constant 29568 : index
    %get3A_1473 = vector.load %arg1[%get3A_1471, %get3A_1472] : memref<8x32768xf32, #tpu.memory_space<vmem>>, vector<8x128xf32>
    %gt3A_1474 = arith.cmpf ogt, %get3A_1473, %max3A_1425 : vector<8x128xf32>
    %max3A_1475 = arith.maximumf %get3A_1473, %max3A_1425 : vector<8x128xf32>
    %select_n3A_1476 = arith.select %gt3A_1474, %broadcast_in_dim3A_1428, %select_n3A_1426 : vector<8x128xi1>, vector<8x128xi32>
    %broadcast_in_dim3A_1477 = arith.constant 29 : i32
    %broadcast_in_dim3A_1478 = vector.broadcast %broadcast_in_dim3A_1477 : i32 to vector<8x128xi32>
    %get3A_1479 = arith.constant 0 : index
    %get3A_1480 = arith.constant 29696 : index
    %get3A_1481 = vector.load %arg1[%get3A_1479, %get3A_1480] : memref<8x32768xf32, #tpu.memory_space<vmem>>, vector<8x128xf32>
    %gt3A_1482 = arith.cmpf ogt, %get3A_1481, %max3A_1433 : vector<8x128xf32>
    %max3A_1483 = arith.maximumf %get3A_1481, %max3A_1433 : vector<8x128xf32>
    %select_n3A_1484 = arith.select %gt3A_1482, %broadcast_in_dim3A_1478, %select_n3A_1434 : vector<8x128xi1>, vector<8x128xi32>
    %get3A_1485 = arith.constant 0 : index
    %get3A_1486 = arith.constant 29824 : index
    %get3A_1487 = vector.load %arg1[%get3A_1485, %get3A_1486] : memref<8x32768xf32, #tpu.memory_space<vmem>>, vector<8x128xf32>
    %gt3A_1488 = arith.cmpf ogt, %get3A_1487, %max3A_1439 : vector<8x128xf32>
    %max3A_1489 = arith.maximumf %get3A_1487, %max3A_1439 : vector<8x128xf32>
    %select_n3A_1490 = arith.select %gt3A_1488, %broadcast_in_dim3A_1478, %select_n3A_1440 : vector<8x128xi1>, vector<8x128xi32>
    %get3A_1491 = arith.constant 0 : index
    %get3A_1492 = arith.constant 29952 : index
    %get3A_1493 = vector.load %arg1[%get3A_1491, %get3A_1492] : memref<8x32768xf32, #tpu.memory_space<vmem>>, vector<8x128xf32>
    %gt3A_1494 = arith.cmpf ogt, %get3A_1493, %max3A_1445 : vector<8x128xf32>
    %max3A_1495 = arith.maximumf %get3A_1493, %max3A_1445 : vector<8x128xf32>
    %select_n3A_1496 = arith.select %gt3A_1494, %broadcast_in_dim3A_1478, %select_n3A_1446 : vector<8x128xi1>, vector<8x128xi32>
    %get3A_1497 = arith.constant 0 : index
    %get3A_1498 = arith.constant 30080 : index
    %get3A_1499 = vector.load %arg1[%get3A_1497, %get3A_1498] : memref<8x32768xf32, #tpu.memory_space<vmem>>, vector<8x128xf32>
    %gt3A_1500 = arith.cmpf ogt, %get3A_1499, %max3A_1451 : vector<8x128xf32>
    %max3A_1501 = arith.maximumf %get3A_1499, %max3A_1451 : vector<8x128xf32>
    %select_n3A_1502 = arith.select %gt3A_1500, %broadcast_in_dim3A_1478, %select_n3A_1452 : vector<8x128xi1>, vector<8x128xi32>
    %get3A_1503 = arith.constant 0 : index
    %get3A_1504 = arith.constant 30208 : index
    %get3A_1505 = vector.load %arg1[%get3A_1503, %get3A_1504] : memref<8x32768xf32, #tpu.memory_space<vmem>>, vector<8x128xf32>
    %gt3A_1506 = arith.cmpf ogt, %get3A_1505, %max3A_1457 : vector<8x128xf32>
    %max3A_1507 = arith.maximumf %get3A_1505, %max3A_1457 : vector<8x128xf32>
    %select_n3A_1508 = arith.select %gt3A_1506, %broadcast_in_dim3A_1478, %select_n3A_1458 : vector<8x128xi1>, vector<8x128xi32>
    %get3A_1509 = arith.constant 0 : index
    %get3A_1510 = arith.constant 30336 : index
    %get3A_1511 = vector.load %arg1[%get3A_1509, %get3A_1510] : memref<8x32768xf32, #tpu.memory_space<vmem>>, vector<8x128xf32>
    %gt3A_1512 = arith.cmpf ogt, %get3A_1511, %max3A_1463 : vector<8x128xf32>
    %max3A_1513 = arith.maximumf %get3A_1511, %max3A_1463 : vector<8x128xf32>
    %select_n3A_1514 = arith.select %gt3A_1512, %broadcast_in_dim3A_1478, %select_n3A_1464 : vector<8x128xi1>, vector<8x128xi32>
    %get3A_1515 = arith.constant 0 : index
    %get3A_1516 = arith.constant 30464 : index
    %get3A_1517 = vector.load %arg1[%get3A_1515, %get3A_1516] : memref<8x32768xf32, #tpu.memory_space<vmem>>, vector<8x128xf32>
    %gt3A_1518 = arith.cmpf ogt, %get3A_1517, %max3A_1469 : vector<8x128xf32>
    %max3A_1519 = arith.maximumf %get3A_1517, %max3A_1469 : vector<8x128xf32>
    %select_n3A_1520 = arith.select %gt3A_1518, %broadcast_in_dim3A_1478, %select_n3A_1470 : vector<8x128xi1>, vector<8x128xi32>
    %get3A_1521 = arith.constant 0 : index
    %get3A_1522 = arith.constant 30592 : index
    %get3A_1523 = vector.load %arg1[%get3A_1521, %get3A_1522] : memref<8x32768xf32, #tpu.memory_space<vmem>>, vector<8x128xf32>
    %gt3A_1524 = arith.cmpf ogt, %get3A_1523, %max3A_1475 : vector<8x128xf32>
    %max3A_1525 = arith.maximumf %get3A_1523, %max3A_1475 : vector<8x128xf32>
    %select_n3A_1526 = arith.select %gt3A_1524, %broadcast_in_dim3A_1478, %select_n3A_1476 : vector<8x128xi1>, vector<8x128xi32>
    %broadcast_in_dim3A_1527 = arith.constant 30 : i32
    %broadcast_in_dim3A_1528 = vector.broadcast %broadcast_in_dim3A_1527 : i32 to vector<8x128xi32>
    %get3A_1529 = arith.constant 0 : index
    %get3A_1530 = arith.constant 30720 : index
    %get3A_1531 = vector.load %arg1[%get3A_1529, %get3A_1530] : memref<8x32768xf32, #tpu.memory_space<vmem>>, vector<8x128xf32>
    %gt3A_1532 = arith.cmpf ogt, %get3A_1531, %max3A_1483 : vector<8x128xf32>
    %max3A_1533 = arith.maximumf %get3A_1531, %max3A_1483 : vector<8x128xf32>
    %select_n3A_1534 = arith.select %gt3A_1532, %broadcast_in_dim3A_1528, %select_n3A_1484 : vector<8x128xi1>, vector<8x128xi32>
    %get3A_1535 = arith.constant 0 : index
    %get3A_1536 = arith.constant 30848 : index
    %get3A_1537 = vector.load %arg1[%get3A_1535, %get3A_1536] : memref<8x32768xf32, #tpu.memory_space<vmem>>, vector<8x128xf32>
    %gt3A_1538 = arith.cmpf ogt, %get3A_1537, %max3A_1489 : vector<8x128xf32>
    %max3A_1539 = arith.maximumf %get3A_1537, %max3A_1489 : vector<8x128xf32>
    %select_n3A_1540 = arith.select %gt3A_1538, %broadcast_in_dim3A_1528, %select_n3A_1490 : vector<8x128xi1>, vector<8x128xi32>
    %get3A_1541 = arith.constant 0 : index
    %get3A_1542 = arith.constant 30976 : index
    %get3A_1543 = vector.load %arg1[%get3A_1541, %get3A_1542] : memref<8x32768xf32, #tpu.memory_space<vmem>>, vector<8x128xf32>
    %gt3A_1544 = arith.cmpf ogt, %get3A_1543, %max3A_1495 : vector<8x128xf32>
    %max3A_1545 = arith.maximumf %get3A_1543, %max3A_1495 : vector<8x128xf32>
    %select_n3A_1546 = arith.select %gt3A_1544, %broadcast_in_dim3A_1528, %select_n3A_1496 : vector<8x128xi1>, vector<8x128xi32>
    %get3A_1547 = arith.constant 0 : index
    %get3A_1548 = arith.constant 31104 : index
    %get3A_1549 = vector.load %arg1[%get3A_1547, %get3A_1548] : memref<8x32768xf32, #tpu.memory_space<vmem>>, vector<8x128xf32>
    %gt3A_1550 = arith.cmpf ogt, %get3A_1549, %max3A_1501 : vector<8x128xf32>
    %max3A_1551 = arith.maximumf %get3A_1549, %max3A_1501 : vector<8x128xf32>
    %select_n3A_1552 = arith.select %gt3A_1550, %broadcast_in_dim3A_1528, %select_n3A_1502 : vector<8x128xi1>, vector<8x128xi32>
    %get3A_1553 = arith.constant 0 : index
    %get3A_1554 = arith.constant 31232 : index
    %get3A_1555 = vector.load %arg1[%get3A_1553, %get3A_1554] : memref<8x32768xf32, #tpu.memory_space<vmem>>, vector<8x128xf32>
    %gt3A_1556 = arith.cmpf ogt, %get3A_1555, %max3A_1507 : vector<8x128xf32>
    %max3A_1557 = arith.maximumf %get3A_1555, %max3A_1507 : vector<8x128xf32>
    %select_n3A_1558 = arith.select %gt3A_1556, %broadcast_in_dim3A_1528, %select_n3A_1508 : vector<8x128xi1>, vector<8x128xi32>
    %get3A_1559 = arith.constant 0 : index
    %get3A_1560 = arith.constant 31360 : index
    %get3A_1561 = vector.load %arg1[%get3A_1559, %get3A_1560] : memref<8x32768xf32, #tpu.memory_space<vmem>>, vector<8x128xf32>
    %gt3A_1562 = arith.cmpf ogt, %get3A_1561, %max3A_1513 : vector<8x128xf32>
    %max3A_1563 = arith.maximumf %get3A_1561, %max3A_1513 : vector<8x128xf32>
    %select_n3A_1564 = arith.select %gt3A_1562, %broadcast_in_dim3A_1528, %select_n3A_1514 : vector<8x128xi1>, vector<8x128xi32>
    %get3A_1565 = arith.constant 0 : index
    %get3A_1566 = arith.constant 31488 : index
    %get3A_1567 = vector.load %arg1[%get3A_1565, %get3A_1566] : memref<8x32768xf32, #tpu.memory_space<vmem>>, vector<8x128xf32>
    %gt3A_1568 = arith.cmpf ogt, %get3A_1567, %max3A_1519 : vector<8x128xf32>
    %max3A_1569 = arith.maximumf %get3A_1567, %max3A_1519 : vector<8x128xf32>
    %select_n3A_1570 = arith.select %gt3A_1568, %broadcast_in_dim3A_1528, %select_n3A_1520 : vector<8x128xi1>, vector<8x128xi32>
    %get3A_1571 = arith.constant 0 : index
    %get3A_1572 = arith.constant 31616 : index
    %get3A_1573 = vector.load %arg1[%get3A_1571, %get3A_1572] : memref<8x32768xf32, #tpu.memory_space<vmem>>, vector<8x128xf32>
    %gt3A_1574 = arith.cmpf ogt, %get3A_1573, %max3A_1525 : vector<8x128xf32>
    %max3A_1575 = arith.maximumf %get3A_1573, %max3A_1525 : vector<8x128xf32>
    %select_n3A_1576 = arith.select %gt3A_1574, %broadcast_in_dim3A_1528, %select_n3A_1526 : vector<8x128xi1>, vector<8x128xi32>
    %broadcast_in_dim3A_1577 = arith.constant 31 : i32
    %broadcast_in_dim3A_1578 = vector.broadcast %broadcast_in_dim3A_1577 : i32 to vector<8x128xi32>
    %get3A_1579 = arith.constant 0 : index
    %get3A_1580 = arith.constant 31744 : index
    %get3A_1581 = vector.load %arg1[%get3A_1579, %get3A_1580] : memref<8x32768xf32, #tpu.memory_space<vmem>>, vector<8x128xf32>
    %gt3A_1582 = arith.cmpf ogt, %get3A_1581, %max3A_1533 : vector<8x128xf32>
    %max3A_1583 = arith.maximumf %get3A_1581, %max3A_1533 : vector<8x128xf32>
    %select_n3A_1584 = arith.select %gt3A_1582, %broadcast_in_dim3A_1578, %select_n3A_1534 : vector<8x128xi1>, vector<8x128xi32>
    %get3A_1585 = arith.constant 0 : index
    %get3A_1586 = arith.constant 31872 : index
    %get3A_1587 = vector.load %arg1[%get3A_1585, %get3A_1586] : memref<8x32768xf32, #tpu.memory_space<vmem>>, vector<8x128xf32>
    %gt3A_1588 = arith.cmpf ogt, %get3A_1587, %max3A_1539 : vector<8x128xf32>
    %max3A_1589 = arith.maximumf %get3A_1587, %max3A_1539 : vector<8x128xf32>
    %select_n3A_1590 = arith.select %gt3A_1588, %broadcast_in_dim3A_1578, %select_n3A_1540 : vector<8x128xi1>, vector<8x128xi32>
    %get3A_1591 = arith.constant 0 : index
    %get3A_1592 = arith.constant 32000 : index
    %get3A_1593 = vector.load %arg1[%get3A_1591, %get3A_1592] : memref<8x32768xf32, #tpu.memory_space<vmem>>, vector<8x128xf32>
    %gt3A_1594 = arith.cmpf ogt, %get3A_1593, %max3A_1545 : vector<8x128xf32>
    %max3A_1595 = arith.maximumf %get3A_1593, %max3A_1545 : vector<8x128xf32>
    %select_n3A_1596 = arith.select %gt3A_1594, %broadcast_in_dim3A_1578, %select_n3A_1546 : vector<8x128xi1>, vector<8x128xi32>
    %get3A_1597 = arith.constant 0 : index
    %get3A_1598 = arith.constant 32128 : index
    %get3A_1599 = vector.load %arg1[%get3A_1597, %get3A_1598] : memref<8x32768xf32, #tpu.memory_space<vmem>>, vector<8x128xf32>
    %gt3A_1600 = arith.cmpf ogt, %get3A_1599, %max3A_1551 : vector<8x128xf32>
    %max3A_1601 = arith.maximumf %get3A_1599, %max3A_1551 : vector<8x128xf32>
    %select_n3A_1602 = arith.select %gt3A_1600, %broadcast_in_dim3A_1578, %select_n3A_1552 : vector<8x128xi1>, vector<8x128xi32>
    %get3A_1603 = arith.constant 0 : index
    %get3A_1604 = arith.constant 32256 : index
    %get3A_1605 = vector.load %arg1[%get3A_1603, %get3A_1604] : memref<8x32768xf32, #tpu.memory_space<vmem>>, vector<8x128xf32>
    %gt3A_1606 = arith.cmpf ogt, %get3A_1605, %max3A_1557 : vector<8x128xf32>
    %max3A_1607 = arith.maximumf %get3A_1605, %max3A_1557 : vector<8x128xf32>
    %select_n3A_1608 = arith.select %gt3A_1606, %broadcast_in_dim3A_1578, %select_n3A_1558 : vector<8x128xi1>, vector<8x128xi32>
    %get3A_1609 = arith.constant 0 : index
    %get3A_1610 = arith.constant 32384 : index
    %get3A_1611 = vector.load %arg1[%get3A_1609, %get3A_1610] : memref<8x32768xf32, #tpu.memory_space<vmem>>, vector<8x128xf32>
    %gt3A_1612 = arith.cmpf ogt, %get3A_1611, %max3A_1563 : vector<8x128xf32>
    %max3A_1613 = arith.maximumf %get3A_1611, %max3A_1563 : vector<8x128xf32>
    %select_n3A_1614 = arith.select %gt3A_1612, %broadcast_in_dim3A_1578, %select_n3A_1564 : vector<8x128xi1>, vector<8x128xi32>
    %get3A_1615 = arith.constant 0 : index
    %get3A_1616 = arith.constant 32512 : index
    %get3A_1617 = vector.load %arg1[%get3A_1615, %get3A_1616] : memref<8x32768xf32, #tpu.memory_space<vmem>>, vector<8x128xf32>
    %gt3A_1618 = arith.cmpf ogt, %get3A_1617, %max3A_1569 : vector<8x128xf32>
    %max3A_1619 = arith.maximumf %get3A_1617, %max3A_1569 : vector<8x128xf32>
    %select_n3A_1620 = arith.select %gt3A_1618, %broadcast_in_dim3A_1578, %select_n3A_1570 : vector<8x128xi1>, vector<8x128xi32>
    %get3A_1621 = arith.constant 0 : index
    %get3A_1622 = arith.constant 32640 : index
    %get3A_1623 = vector.load %arg1[%get3A_1621, %get3A_1622] : memref<8x32768xf32, #tpu.memory_space<vmem>>, vector<8x128xf32>
    %gt3A_1624 = arith.cmpf ogt, %get3A_1623, %max3A_1575 : vector<8x128xf32>
    %max3A_1625 = arith.maximumf %get3A_1623, %max3A_1575 : vector<8x128xf32>
    %select_n3A_1626 = arith.select %gt3A_1624, %broadcast_in_dim3A_1578, %select_n3A_1576 : vector<8x128xi1>, vector<8x128xi32>
    %mul3A = arith.constant 8 : i32
    %mul3A_1627 = vector.broadcast %mul3A : i32 to vector<8x128xi32>
    %mul3A_1628 = arith.muli %select_n3A_1584, %mul3A_1627 : vector<8x128xi32>
    %add3A = arith.constant 0 : i32
    %add3A_1629 = vector.broadcast %add3A : i32 to vector<8x128xi32>
    %add3A_1630 = arith.addi %mul3A_1628, %add3A_1629 : vector<8x128xi32>
    %mul3A_1631 = arith.constant 128 : i32
    %mul3A_1632 = vector.broadcast %mul3A_1631 : i32 to vector<8x128xi32>
    %mul3A_1633 = arith.muli %add3A_1630, %mul3A_1632 : vector<8x128xi32>
    %add3A_1634 = arith.addi %mul3A_1633, %iota3A : vector<8x128xi32>
    %mul3A_1635 = arith.constant 8 : i32
    %mul3A_1636 = vector.broadcast %mul3A_1635 : i32 to vector<8x128xi32>
    %mul3A_1637 = arith.muli %select_n3A_1590, %mul3A_1636 : vector<8x128xi32>
    %add3A_1638 = arith.constant 1 : i32
    %add3A_1639 = vector.broadcast %add3A_1638 : i32 to vector<8x128xi32>
    %add3A_1640 = arith.addi %mul3A_1637, %add3A_1639 : vector<8x128xi32>
    %mul3A_1641 = arith.constant 128 : i32
    %mul3A_1642 = vector.broadcast %mul3A_1641 : i32 to vector<8x128xi32>
    %mul3A_1643 = arith.muli %add3A_1640, %mul3A_1642 : vector<8x128xi32>
    %add3A_1644 = arith.addi %mul3A_1643, %iota3A : vector<8x128xi32>
    %mul3A_1645 = arith.constant 8 : i32
    %mul3A_1646 = vector.broadcast %mul3A_1645 : i32 to vector<8x128xi32>
    %mul3A_1647 = arith.muli %select_n3A_1596, %mul3A_1646 : vector<8x128xi32>
    %add3A_1648 = arith.constant 2 : i32
    %add3A_1649 = vector.broadcast %add3A_1648 : i32 to vector<8x128xi32>
    %add3A_1650 = arith.addi %mul3A_1647, %add3A_1649 : vector<8x128xi32>
    %mul3A_1651 = arith.constant 128 : i32
    %mul3A_1652 = vector.broadcast %mul3A_1651 : i32 to vector<8x128xi32>
    %mul3A_1653 = arith.muli %add3A_1650, %mul3A_1652 : vector<8x128xi32>
    %add3A_1654 = arith.addi %mul3A_1653, %iota3A : vector<8x128xi32>
    %mul3A_1655 = arith.constant 8 : i32
    %mul3A_1656 = vector.broadcast %mul3A_1655 : i32 to vector<8x128xi32>
    %mul3A_1657 = arith.muli %select_n3A_1602, %mul3A_1656 : vector<8x128xi32>
    %add3A_1658 = arith.constant 3 : i32
    %add3A_1659 = vector.broadcast %add3A_1658 : i32 to vector<8x128xi32>
    %add3A_1660 = arith.addi %mul3A_1657, %add3A_1659 : vector<8x128xi32>
    %mul3A_1661 = arith.constant 128 : i32
    %mul3A_1662 = vector.broadcast %mul3A_1661 : i32 to vector<8x128xi32>
    %mul3A_1663 = arith.muli %add3A_1660, %mul3A_1662 : vector<8x128xi32>
    %add3A_1664 = arith.addi %mul3A_1663, %iota3A : vector<8x128xi32>
    %mul3A_1665 = arith.constant 8 : i32
    %mul3A_1666 = vector.broadcast %mul3A_1665 : i32 to vector<8x128xi32>
    %mul3A_1667 = arith.muli %select_n3A_1608, %mul3A_1666 : vector<8x128xi32>
    %add3A_1668 = arith.constant 4 : i32
    %add3A_1669 = vector.broadcast %add3A_1668 : i32 to vector<8x128xi32>
    %add3A_1670 = arith.addi %mul3A_1667, %add3A_1669 : vector<8x128xi32>
    %mul3A_1671 = arith.constant 128 : i32
    %mul3A_1672 = vector.broadcast %mul3A_1671 : i32 to vector<8x128xi32>
    %mul3A_1673 = arith.muli %add3A_1670, %mul3A_1672 : vector<8x128xi32>
    %add3A_1674 = arith.addi %mul3A_1673, %iota3A : vector<8x128xi32>
    %mul3A_1675 = arith.constant 8 : i32
    %mul3A_1676 = vector.broadcast %mul3A_1675 : i32 to vector<8x128xi32>
    %mul3A_1677 = arith.muli %select_n3A_1614, %mul3A_1676 : vector<8x128xi32>
    %add3A_1678 = arith.constant 5 : i32
    %add3A_1679 = vector.broadcast %add3A_1678 : i32 to vector<8x128xi32>
    %add3A_1680 = arith.addi %mul3A_1677, %add3A_1679 : vector<8x128xi32>
    %mul3A_1681 = arith.constant 128 : i32
    %mul3A_1682 = vector.broadcast %mul3A_1681 : i32 to vector<8x128xi32>
    %mul3A_1683 = arith.muli %add3A_1680, %mul3A_1682 : vector<8x128xi32>
    %add3A_1684 = arith.addi %mul3A_1683, %iota3A : vector<8x128xi32>
    %mul3A_1685 = arith.constant 8 : i32
    %mul3A_1686 = vector.broadcast %mul3A_1685 : i32 to vector<8x128xi32>
    %mul3A_1687 = arith.muli %select_n3A_1620, %mul3A_1686 : vector<8x128xi32>
    %add3A_1688 = arith.constant 6 : i32
    %add3A_1689 = vector.broadcast %add3A_1688 : i32 to vector<8x128xi32>
    %add3A_1690 = arith.addi %mul3A_1687, %add3A_1689 : vector<8x128xi32>
    %mul3A_1691 = arith.constant 128 : i32
    %mul3A_1692 = vector.broadcast %mul3A_1691 : i32 to vector<8x128xi32>
    %mul3A_1693 = arith.muli %add3A_1690, %mul3A_1692 : vector<8x128xi32>
    %add3A_1694 = arith.addi %mul3A_1693, %iota3A : vector<8x128xi32>
    %mul3A_1695 = arith.constant 8 : i32
    %mul3A_1696 = vector.broadcast %mul3A_1695 : i32 to vector<8x128xi32>
    %mul3A_1697 = arith.muli %select_n3A_1626, %mul3A_1696 : vector<8x128xi32>
    %add3A_1698 = arith.constant 7 : i32
    %add3A_1699 = vector.broadcast %add3A_1698 : i32 to vector<8x128xi32>
    %add3A_1700 = arith.addi %mul3A_1697, %add3A_1699 : vector<8x128xi32>
    %mul3A_1701 = arith.constant 128 : i32
    %mul3A_1702 = vector.broadcast %mul3A_1701 : i32 to vector<8x128xi32>
    %mul3A_1703 = arith.muli %add3A_1700, %mul3A_1702 : vector<8x128xi32>
    %add3A_1704 = arith.addi %mul3A_1703, %iota3A : vector<8x128xi32>
    %gt3A_1705 = arith.cmpf ogt, %max3A_1589, %max3A_1583 : vector<8x128xf32>
    %eq3A = arith.cmpf oeq, %max3A_1589, %max3A_1583 : vector<8x128xf32>
    %lt3A = arith.cmpi slt, %add3A_1644, %add3A_1634 : vector<8x128xi32>
    %and3A = arith.andi %eq3A, %lt3A : vector<8x128xi1>
    %or3A = arith.ori %gt3A_1705, %and3A : vector<8x128xi1>
    %select_n3A_1706 = arith.select %or3A, %max3A_1589, %max3A_1583 : vector<8x128xi1>, vector<8x128xf32>
    %select_n3A_1707 = arith.select %or3A, %add3A_1644, %add3A_1634 : vector<8x128xi1>, vector<8x128xi32>
    %gt3A_1708 = arith.cmpf ogt, %max3A_1601, %max3A_1595 : vector<8x128xf32>
    %eq3A_1709 = arith.cmpf oeq, %max3A_1601, %max3A_1595 : vector<8x128xf32>
    %lt3A_1710 = arith.cmpi slt, %add3A_1664, %add3A_1654 : vector<8x128xi32>
    %and3A_1711 = arith.andi %eq3A_1709, %lt3A_1710 : vector<8x128xi1>
    %or3A_1712 = arith.ori %gt3A_1708, %and3A_1711 : vector<8x128xi1>
    %select_n3A_1713 = arith.select %or3A_1712, %max3A_1601, %max3A_1595 : vector<8x128xi1>, vector<8x128xf32>
    %select_n3A_1714 = arith.select %or3A_1712, %add3A_1664, %add3A_1654 : vector<8x128xi1>, vector<8x128xi32>
    %gt3A_1715 = arith.cmpf ogt, %max3A_1613, %max3A_1607 : vector<8x128xf32>
    %eq3A_1716 = arith.cmpf oeq, %max3A_1613, %max3A_1607 : vector<8x128xf32>
    %lt3A_1717 = arith.cmpi slt, %add3A_1684, %add3A_1674 : vector<8x128xi32>
    %and3A_1718 = arith.andi %eq3A_1716, %lt3A_1717 : vector<8x128xi1>
    %or3A_1719 = arith.ori %gt3A_1715, %and3A_1718 : vector<8x128xi1>
    %select_n3A_1720 = arith.select %or3A_1719, %max3A_1613, %max3A_1607 : vector<8x128xi1>, vector<8x128xf32>
    %select_n3A_1721 = arith.select %or3A_1719, %add3A_1684, %add3A_1674 : vector<8x128xi1>, vector<8x128xi32>
    %gt3A_1722 = arith.cmpf ogt, %max3A_1625, %max3A_1619 : vector<8x128xf32>
    %eq3A_1723 = arith.cmpf oeq, %max3A_1625, %max3A_1619 : vector<8x128xf32>
    %lt3A_1724 = arith.cmpi slt, %add3A_1704, %add3A_1694 : vector<8x128xi32>
    %and3A_1725 = arith.andi %eq3A_1723, %lt3A_1724 : vector<8x128xi1>
    %or3A_1726 = arith.ori %gt3A_1722, %and3A_1725 : vector<8x128xi1>
    %select_n3A_1727 = arith.select %or3A_1726, %max3A_1625, %max3A_1619 : vector<8x128xi1>, vector<8x128xf32>
    %select_n3A_1728 = arith.select %or3A_1726, %add3A_1704, %add3A_1694 : vector<8x128xi1>, vector<8x128xi32>
    %gt3A_1729 = arith.cmpf ogt, %select_n3A_1713, %select_n3A_1706 : vector<8x128xf32>
    %eq3A_1730 = arith.cmpf oeq, %select_n3A_1713, %select_n3A_1706 : vector<8x128xf32>
    %lt3A_1731 = arith.cmpi slt, %select_n3A_1714, %select_n3A_1707 : vector<8x128xi32>
    %and3A_1732 = arith.andi %eq3A_1730, %lt3A_1731 : vector<8x128xi1>
    %or3A_1733 = arith.ori %gt3A_1729, %and3A_1732 : vector<8x128xi1>
    %select_n3A_1734 = arith.select %or3A_1733, %select_n3A_1713, %select_n3A_1706 : vector<8x128xi1>, vector<8x128xf32>
    %select_n3A_1735 = arith.select %or3A_1733, %select_n3A_1714, %select_n3A_1707 : vector<8x128xi1>, vector<8x128xi32>
    %gt3A_1736 = arith.cmpf ogt, %select_n3A_1727, %select_n3A_1720 : vector<8x128xf32>
    %eq3A_1737 = arith.cmpf oeq, %select_n3A_1727, %select_n3A_1720 : vector<8x128xf32>
    %lt3A_1738 = arith.cmpi slt, %select_n3A_1728, %select_n3A_1721 : vector<8x128xi32>
    %and3A_1739 = arith.andi %eq3A_1737, %lt3A_1738 : vector<8x128xi1>
    %or3A_1740 = arith.ori %gt3A_1736, %and3A_1739 : vector<8x128xi1>
    %select_n3A_1741 = arith.select %or3A_1740, %select_n3A_1727, %select_n3A_1720 : vector<8x128xi1>, vector<8x128xf32>
    %select_n3A_1742 = arith.select %or3A_1740, %select_n3A_1728, %select_n3A_1721 : vector<8x128xi1>, vector<8x128xi32>
    %gt3A_1743 = arith.cmpf ogt, %select_n3A_1741, %select_n3A_1734 : vector<8x128xf32>
    %eq3A_1744 = arith.cmpf oeq, %select_n3A_1741, %select_n3A_1734 : vector<8x128xf32>
    %lt3A_1745 = arith.cmpi slt, %select_n3A_1742, %select_n3A_1735 : vector<8x128xi32>
    %and3A_1746 = arith.andi %eq3A_1744, %lt3A_1745 : vector<8x128xi1>
    %or3A_1747 = arith.ori %gt3A_1743, %and3A_1746 : vector<8x128xi1>
    %select_n3A_1748 = arith.select %or3A_1747, %select_n3A_1741, %select_n3A_1734 : vector<8x128xi1>, vector<8x128xf32>
    %select_n3A_1749 = arith.select %or3A_1747, %select_n3A_1742, %select_n3A_1735 : vector<8x128xi1>, vector<8x128xi32>
    %reduce_max3A = arith.constant dense<0xFF800000> : vector<8xf32>
    %reduce_max3A_1750 = vector.multi_reduction <maximumf>, %select_n3A_1748, %reduce_max3A [1] : vector<8x128xf32> to vector<8xf32>
    %broadcast_in_dim3A_1751 = vector.shape_cast %reduce_max3A_1750 : vector<8xf32> to vector<8x1xf32>
    %eq3A_1752 = vector.broadcast %broadcast_in_dim3A_1751 : vector<8x1xf32> to vector<8x128xf32>
    %eq3A_1753 = arith.cmpf oeq, %select_n3A_1748, %eq3A_1752 : vector<8x128xf32>
    %jit3A = arith.constant 2147483647 : i32
    %broadcast_in_dim3A_1754 = vector.broadcast %jit3A : i32 to vector<8x128xi32>
    %select_n3A_1755 = arith.select %eq3A_1753, %select_n3A_1749, %broadcast_in_dim3A_1754 : vector<8x128xi1>, vector<8x128xi32>
    %reduce_min3A = arith.constant dense<2147483647> : vector<8xi32>
    %reduce_min3A_1756 = vector.multi_reduction <minsi>, %select_n3A_1755, %reduce_min3A [1] : vector<8x128xi32> to vector<8xi32>
    %squeeze3A = vector.shape_cast %broadcast_in_dim3A_1751 : vector<8x1xf32> to vector<8xf32>
    %ge3A = arith.constant 5.000000e-01 : f32
    %ge3A_1757 = vector.broadcast %ge3A : f32 to vector<8xf32>
    %ge3A_1758 = arith.cmpf oge, %squeeze3A, %ge3A_1757 : vector<8xf32>
    %jit3A_1759 = arith.constant -1 : i32
    %broadcast_in_dim3A_1760 = vector.broadcast %jit3A_1759 : i32 to vector<8xi32>
    %select_n3A_1761 = arith.select %ge3A_1758, %reduce_min3A_1756, %broadcast_in_dim3A_1760 : vector<8xi1>, vector<8xi32>
    %reshape3A = vector.shape_cast %select_n3A_1761 : vector<8xi32> to vector<1x1x8xi32>
    %swap3A = arith.constant 0 : index
    %swap3A_1762 = arith.constant 0 : index
    %swap3A_1763 = arith.constant 0 : index
    %swap3A_1764 = vector.load %arg2[%swap3A, %swap3A_1762, %swap3A_1763] : memref<1x1x8xi32, #tpu.memory_space<vmem>>, vector<1x1x8xi32>
    tpu.vector_store %arg2[%swap3A, %swap3A_1762, %swap3A_1763], %reshape3A {strides = array<i32>} : memref<1x1x8xi32, #tpu.memory_space<vmem>>, vector<1x1x8xi32>,
    return
  }
  func.func @transform_0(%arg0: i32) -> (i32, i32) {
    %c0_i32 = arith.constant 0 : i32
    %c0_i32_0 = arith.constant 0 : i32
    return %arg0, %c0_i32 : i32, i32
  }
  func.func @transform_1(%arg0: i32) -> (i32, i32, i32) {
    %c0_i32 = arith.constant 0 : i32
    %c0_i32_0 = arith.constant 0 : i32
    %c0_i32_1 = arith.constant 0 : i32
    return %arg0, %c0_i32, %c0_i32_0 : i32, i32, i32
  }
}

</mosaic_0001>

<sc_bundles>
// kernel: kernel.4.cloned.1.call-start
scs
__scs_entry_jumppad:
0x0: {  	(pc) =	sbr.rel $0x88, $3  }
0x1: {  	(tag) =	ssettag $0x0;
	lr =	simm.s32 $0x1  }
0x2: {  	[smem:$0x3FA0] =	sst lr;
	_ =	strace $0xD0000000  }
0x3: {  	_ = 	snop  }
0x4: {  	_ = 	snop  }
0x5: {  	_ = 	snop  }
0x6: {  	_ = 	snop  }
0x7: {  	_ = 	snop  }
__scs_overlays_trampoline_lowered:
0x8: {  	[smem:$0x3FAF] =	sst s0  }
0x9: {  	[smem:$0x3FB0] =	sst s1  }
0xa: {  	[smem:$0x3FB1] =	sst s2  }
0xb: {  	[smem:$0x3FB2] =	sst s3  }
0xc: {  	[smem:$0x3FB3] =	sst s4  }
0xd: {  	[smem:$0x3FB4] =	sst s5  }
0xe: {  	[smem:$0x3FB5] =	sst s6  }
0xf: {  	[smem:$0x3FB6] =	sst s7  }
0x10: {  	[smem:$0x3FB7] =	sst s8  }
0x11: {  	[smem:$0x3FB8] =	sst s9;
	s0 =	simm.s32 @!p0 $0x0  }
0x12: {  	s1 =	sld [smem:$0x3F9E];
	s0 =	simm.s32 @p0 $0x1  }
0x13: {  	[smem:$0x3FB9] =	sst s0;
	s0 =	simm.s32 @!p1 $0x0  }
0x14: {  	s2 =	sld [smem:$0x3F9D];
	s0 =	simm.s32 @p1 $0x1  }
0x15: {  	[smem:$0x3FBA] =	sst s0;
	s0 =	simm.s32 @!p2 $0x0  }
0x16: {  	s3 =	sld [smem:$0x3FDB];
	s0 =	simm.s32 @p2 $0x1  }
0x17: {  	s4 =	simm.s32 $0x1BF5;
	[smem:$0x3FBC] =	sst s0  }
0x18: {  	s0 =	sld [smem:$0x3F9F];
	_ =	swait.ge [sflag:s4], $0x0  }
0x19: {  	s7 =	sld [smem:$0x3FA0]  }
0x1a: {  	s8 =	sadd.s32 $0xFFFFE003, lr  }
0x1b: {  	s9 =	sadd.s32 $0xFFFFFEF7, lr;
	s5 =	simm.s32 $0xFFFFFFFF;
	p2 =	slt.u32 s8, $0xFFFFF086  }
0x1c: {  	p1 =	slt.u32 s9, $0xF7A;
	s5 =	simm.s32 @!p2 $0x0  }
0x1d: {  	s5 =	simm.s32 @p1 $0x1;
	p0 =	seq.s32 s7, s2  }
0x1e: {  	s7 =	smul.u32 @!p0 $0xF7A, s2;
	p2 =	seq.s32 @!p0 s5, $0x0  }
0x1f: {  	s9 =	smul.u32 $0xF7A, s1;
	s8 =	simm.s32 @!p0 $0x1BF5;
	p2 =	por !p2, p0  }
0x20: {  	[sflag:s8] =	ssyncset.s32 @!p0 $0xFFFFF086;
	s6 =	sadd.s32 @!p0 s3, s7;
	s7 =	simm.s32 @!p0 $0x108  }
0x21: {  	s3 =	sadd.s32 s3, s9;
	s6 =	sadd.s32 @!p0 $0x88, s6;
	s7 =	simm.s32 @p2 $0x1082  }
0x22: {  	[simem:s7], [sflag:s8] =	dma.local @!p0 [hbm:s6], $0xF7A  }
0x23: {  	s9 =	sor.u32 $0xD0000000, s2;
	s6 =	simm.s32 $0x108;
	_ =	swait.ge @!p0 [sflag:s8], $0x0  }
0x24: {  	s3 =	sadd.s32 $0x88, s3;
	s6 =	simm.s32 @!p1 $0x1082;
	[sflag:s4] =	ssyncset.s32 $0xFFFFF086  }
0x25: {  	[simem:s6], [sflag:s4] =	dma.local [hbm:s3], $0xF7A  }
0x26: {  	[smem:$0x3FA0] =	sst s1;
	(tag) =	ssettag s2;
	_ =	strace s9  }
0x27: {  	s1 =	sld [smem:$0x3FB0]  }
0x28: {  	s2 =	sld [smem:$0x3FB1]  }
0x29: {  	s4 =	sld [smem:$0x3FB3]  }
0x2a: {  	p0 =	seq.s32 s5, $0x0;
	s5 =	sld [smem:$0x3FB4]  }
0x2b: {  	s6 =	sld [smem:$0x3FB5]  }
0x2c: {  	s7 =	sld [smem:$0x3FB6]  }
0x2d: {  	s3 =	simm.s32 $0x108;
	s8 =	sld [smem:$0x3FB7]  }
0x2e: {  	s3 =	simm.s32 @!p0 $0x1082;
	s9 =	sld [smem:$0x3FB8]  }
0x2f: {  	lr =	sadd.s32 s0, s3;
	s0 =	sld [smem:$0x3FAF]  }
0x30: {  	s3 =	sld [smem:$0x3FB2]  }
0x31: {  	[smem:$0x3FBB] =	sst s10  }
0x32: {  	s10 =	sld [smem:$0x3FB9];
	_ =	sdelay $0x3  }
0x33: {  	p0 =	seq.s32 s10, $0x1;
	s10 =	sld [smem:$0x3FBB];
	_ =	sdelay $0x3  }
0x34: {  	[smem:$0x3FBB] =	sst s10  }
0x35: {  	s10 =	sld [smem:$0x3FBA];
	_ =	sdelay $0x3  }
0x36: {  	p1 =	seq.s32 s10, $0x1;
	s10 =	sld [smem:$0x3FBB];
	_ =	sdelay $0x3  }
0x37: {  	[smem:$0x3FBB] =	sst s10  }
0x38: {  	s10 =	sld [smem:$0x3FBC]  }
0x39: {  	_ = 	snop;
	(pc) =	sbr.ind lr, $3  }
0x3a: {  	_ = 	snop  }
0x3b: {  	_ = 	snop  }
0x3c: {  	p2 =	seq.s32 s10, $0x1;
	s10 =	sld [smem:$0x3FBB]  }
0x3d: {  	_ =	shalt  }
0x3e: {  	_ =	shalt  }
0x3f: {  	_ =	shalt  }
0x40: {  	_ =	shalt  }
0x41: {  	_ =	shalt  }
0x42: {  	_ =	shalt  }
0x43: {  	_ =	shalt  }
0x44: {  	_ =	shalt  }
0x45: {  	_ =	shalt  }
0x46: {  	_ =	shalt  }
0x47: {  	_ =	shalt  }
0x48: {  	_ =	shalt  }
0x49: {  	_ =	shalt  }
0x4a: {  	_ =	shalt  }
0x4b: {  	_ =	shalt  }
0x4c: {  	_ =	shalt  }
0x4d: {  	_ =	shalt  }
0x4e: {  	_ =	shalt  }
0x4f: {  	_ =	shalt  }
0x50: {  	_ =	shalt  }
0x51: {  	_ =	shalt  }
0x52: {  	_ =	shalt  }
0x53: {  	_ =	shalt  }
0x54: {  	_ =	shalt  }
0x55: {  	_ =	shalt  }
0x56: {  	_ =	shalt  }
0x57: {  	_ =	shalt  }
0x58: {  	_ =	shalt  }
0x59: {  	_ =	shalt  }
0x5a: {  	_ =	shalt  }
0x5b: {  	_ =	shalt  }
0x5c: {  	_ =	shalt  }
0x5d: {  	_ =	shalt  }
0x5e: {  	_ =	shalt  }
0x5f: {  	_ =	shalt  }
0x60: {  	_ =	shalt  }
0x61: {  	_ =	shalt  }
0x62: {  	_ =	shalt  }
0x63: {  	_ =	shalt  }
0x64: {  	_ =	shalt  }
0x65: {  	_ =	shalt  }
0x66: {  	_ =	shalt  }
0x67: {  	_ =	shalt  }
0x68: {  	_ =	shalt  }
0x69: {  	_ =	shalt  }
0x6a: {  	_ =	shalt  }
0x6b: {  	_ =	shalt  }
0x6c: {  	_ =	shalt  }
0x6d: {  	_ =	shalt  }
0x6e: {  	_ =	shalt  }
0x6f: {  	_ =	shalt  }
0x70: {  	_ =	shalt  }
0x71: {  	_ =	shalt  }
0x72: {  	_ =	shalt  }
0x73: {  	_ =	shalt  }
0x74: {  	_ =	shalt  }
0x75: {  	_ =	shalt  }
0x76: {  	_ =	shalt  }
0x77: {  	_ =	shalt  }
0x78: {  	_ =	shalt  }
0x79: {  	_ =	shalt  }
0x7a: {  	_ =	shalt  }
0x7b: {  	_ =	shalt  }
0x7c: {  	_ =	shalt  }
0x7d: {  	_ =	shalt  }
0x7e: {  	_ =	shalt  }
0x7f: {  	_ =	shalt  }
0x80: {  	_ =	shalt  }
0x81: {  	_ =	shalt  }
0x82: {  	_ =	shalt  }
0x83: {  	_ =	shalt  }
0x84: {  	_ =	shalt  }
0x85: {  	_ =	shalt  }
0x86: {  	_ =	shalt  }
0x87: {  	_ =	shalt  }
.Lfunc_end0:
.L_simem_size_0:
called_computation_lowered:
.L_overlay_start_0:
0x88: {  	s2 =	sld [smem:$0x3FD9]  }
0x89: {  	s3 =	sld [smem:$0x3FFE];
	_ =	sdelay $0x1  }
0x8a: {  	s1 =	srdreg.scid  }
0x8b: {  	s0 =	sand.u32 $0x1, s1  }
0x8c: {  	s17 =	sshll.u32 s0, $0xA;
	s2 =	sadd.s32 s3, s2  }
0x8d: {  	s2 =	sadd.s32 s2, s17  }
0x8e: {  	[smem:$0x3FC7] =	sst s2  }
0x8f: {  	_ = 	snop  }
0x90: {  	s2 =	sld [smem:$0x3FC9];
	(tm) =	ssettm $0x1  }
0x91: {  	s18 =	sld [smem:$0x3FFB];
	_ =	sdelay $0x3  }
0x92: {  	_ =	strace s18  }
0x93: {  	s3 =	sld [smem:$0x3FFC];
	_ =	sdelay $0x3  }
0x94: {  	_ =	strace s3  }
0x95: {  	s3 =	sld [smem:$0x3FFD];
	_ =	sdelay $0x3  }
0x96: {  	_ =	strace s3  }
0x97: {  	_ =	strace $0x8FFFFFFF  }
0x98: {  	s19 =	sld [smem:$0x3FDB];
	_ =	sdelay $0x1  }
0x99: {  	s4 =	simm.s32 $_scs_section_size  }
0x9a: {  	s5 =	simm.s32 $_size__tile_overlayer_lowered;
	s6 =	simm.s32 $_tile_overlayer_lowered  }
0x9b: {  	s22 =	simm.s32 $0x1BFF;
	s21 =	sshll.u32 s6, $0x1;
	s3 =	sadd.s32 s4, s19  }
0x9c: {  	s7 =	simm.s32 $0x0;
	s20 =	sshll.u32 s5, $0x1;
	s5 =	sadd.s32 s21, s3  }
0x9d: {  	[timem:s7], [sflag:s22] =	dma.local [hbm:s5], s20  }
0x9e: {  	_ =	swait.ge [sflag:s22], s20  }
0x9f: {  	s4 =	ssub.s32 $0x0, s20;
	[sflag:s22] =	ssyncset.done $0x0  }
0xa0: {  	[sflag:s22] =	ssyncadd.s32 s4;
	_ =	sdelay $0x1  }
0xa1: {  	s23 =	simm.s32 $0x1B8B  }
0xa2: {  	_ =	swait.ge [sflag:s23], $0x1  }
0xa3: {  	[sflag:s23] =	ssyncset.done $0x0  }
0xa4: {  	s25 =	simm.s32 $0x1B8E;
	s24 =	sld [smem:$0x3FFE];
	[sflag:s23] =	ssyncadd.s32 $0xFFFFFFFF  }
0xa5: {  	s26 =	simm.s32 $execute0_lowered;
	[smem:$0x3FD2] =	sst s25  }
0xa6: {  	s5 =	sshll.u32 s26, $0x1;
	_ =	strace $0x80000046;
	[dreg:$0x1] =	wrdreg $0xFFFFFFFF  }
0xa7: {  	s28 =	simm.s32 $_size_execute0_lowered;
	s3 =	sadd.s32 s3, s5;
	[dreg:$0x0] =	wrdreg $0x0  }
0xa8: {  	s5 =	sshll.u32 s28, $0x1;
	[dreg:$0x2] =	wrdreg s3  }
0xa9: {  	[dreg:$0x3] =	wrdreg s5  }
0xaa: {  	[dreg:$0x4] =	wrdreg $0xC0  }
0xab: {  	_ =	task [dreg:s7], $0x5FFFF  }
0xac: {  	[dreg:$0x1] =	wrdreg $0xFFFFFFFF  }
0xad: {  	[dreg:$0x0] =	wrdreg $0x60  }
0xae: {  	[dreg:$0x2] =	wrdreg s2  }
0xaf: {  	[dreg:$0x3] =	wrdreg s24  }
0xb0: {  	[dreg:$0x4] =	wrdreg $0x81000  }
0xb1: {  	[dreg:$0x5] =	wrdreg $0x9  }
0xb2: {  	_ =	task.clear_ibuf [dreg:s7], $0x6FFFF;
	_ =	strace $0x90000046  }
0xb3: {  	s29 =	simm.s32 $0x9;
	_ =	strace $0x80000048  }
0xb4: {  	_ =	swait.ge [sflag:s29], $0x1  }
0xb5: {  	[sflag:s29] =	ssyncadd.s32 $0xFFFFFFFF  }
0xb6: {  	_ =	strace $0x90000048  }
0xb7: {  	_ =	sfence  }
0xb8: {  	s30 =	sld [smem:$0x0];
	_ =	sdelay $0x2  }
0xb9: {  	s31 =	sshll.u32 s1, $0xD;
	s1 =	sshrl.u32 s1, $0x2  }
0xba: {  	s3 =	sand.u32 $0x4000, s31;
	s1 =	sadd.s32 s1, s30  }
0xbb: {  	s0 =	sor.u32 s3, s0;
	s1 =	sshll.u32 s1, $0x11  }
0xbc: {  	s0 =	sor.u32 s1, s0  }
0xbd: {  	s0 =	sadd.s32 $0x8F2B, s0  }
0xbe: {  	[sflag:s0] =	ssyncadd.remote.s32 $0x1  }
0xbf: {  	_ =	sfence.sel $0xFFFF  }
0xc0: {  	[dreg:$0x0] =	wrdreg $0xFFFFFFFF;
	(pc) =	sbr.abs _section_cstart, $3  }
0xc1: {  	[dreg:$0x1] =	wrdreg $0xFFFFFFFF  }
0xc2: {  	_ =	task.clear_ibuf [dreg:s7], $0x2FFFF;
	_ =	strace $0x9FFFFFFF  }
0xc3: {  	(tm) =	ssettm $0x7FFFFFFF  }
tec
execute0_lowered:
.L_overlay_start_1:
0x0: {  	(tag) =	ssettag $0x1  }
0x1: {  	s3 =	rddreg [dreg:$0x0]  }
0x2: {  	s4 =	rddreg [dreg:$0x1]  }
0x3: {  	s1 =	rddreg [dreg:$0x2]  }
0x4: {  	s0 =	rddreg [dreg:$0x3];
	s2 =	simm.s32 $0x0;
	s5 =	srdreg.scid  }
0x5: {  	s6 =	stileid.u32;
	s11 =	simm.s32 $0x0;
	[smem:$0x7FF] =	sst s2  }
0x6: {  	s5 =	sand.u32 $0x1, s5;
	s8 =	sshll.u32 s6, $0xC;
	s9 =	sshll.u32 s6, $0x4  }
0x7: {  	v1 =	vmov s6;
	p0 =	sne.s32 s6, $0x0;
	s6 =	simm.s32 $0x400;
	_ =	strace $0x80000047  }
0x8: {  	s7 =	sshll.u32 s5, $0x10;
	s8 =	sand.u32 $0x8000, s8;
	s29 =	ssub.s32 $0x2, s5  }
0x9: {  	s9 =	sand.u32 $0x70, s9;
	s5 =	sshll.u32 s5, $0x4;
	s10 =	sshrl.u32 @!p0 s1, $0x3  }
0xa: {  	v0 =	vlaneseq.u32;
	s3 =	sadd.s32 s7, s3;
	s30 =	sshrl.u32 s29, $0x1;
	s4 =	sadd.s32 s5, s4  }
0xb: {  	vm1 =	vmmov $0xffff;
	v2 =	vor.u32 $0x20, v0;
	v3 =	vor.u32 $0x30, v0;
	s7 =	simm.s32 $0x1;
	s3 =	sadd.s32 s8, s3;
	s31 =	ssub.s32 s29, s30  }
0xc: {  	v4 =	vor.u32 $0x40, v0;
	v5 =	vor.u32 $0x50, v0;
	v6 =	vor.u32 $0x60, v0;
	s4 =	sadd.s32 $0x200, s4;
	s8 =	simm.s32 $0x8000;
	s3 =	sadd.s32 s9, s3  }
0xd: {  	v7 =	vor.u32 $0x70, v0;
	vm0 =	veq.s32 v1, v0;
	v1 =	vor.u32 $0x10, v0;
	s5 =	smax.u32 s31, $0x1;
	s9 =	simm.s32 $0x2;
	s3 =	sadd.s32 $0x60000, s3  }
.LBB2_1:
0xe: {  	v8 =	vimm.s32 @!p0 $0x0  }
0xf: {  	s12 =	simm.s32 @!p0 $0x8080;
	[tilespmem:$0x8080] =	vst @!p0 v8  }
0x10: {  	[spmem:s1] =	stream.linear.scatter @!p0 [tilespmem:s12], [sflag:$0x2], $0x80, $0x38;
	[tilespmem:$0x8108] =	vst v63  }
0x11: {  	s12 =	simm.s32 @!p0 $0x2  }
0x12: {  	_ =	swait.ge @!p0 [sflag:s12], $0x80  }
0x13: {  	[sflag:s12] =	ssyncset.done @!p0 $0x0  }
0x14: {  	s13 =	simm.s32 $0x80;
	[sflag:s12] =	ssyncadd.s32 @!p0 $0xFFFFFF80  }
0x15: {  	[tilespmem:s2], [sflag:$0x1] =	stream.strided.gather [hbm4b:s3+s13], $0x8000, s6, s13, $0x38;
	[tilespmem:$0x8108] =	vst v63  }
0x16: {  	_ =	swait.ge [sflag:s7], $0x8000  }
0x17: {  	[sflag:s7] =	ssyncset.done $0x0  }
0x18: {  	[sflag:s7] =	ssyncadd.s32 $0xFFFF8000  }
0x19: {  	v8 =	vld [tilespmem:s13+$0xFFFFFFC0]  }
0x1a: {  	v13 =	vld [tilespmem:s13+$0xFFFFFFD0]  }
0x1b: {  	v11 =	vld [tilespmem:s13+$0xFFFFFFE0]  }
0x1c: {  	v16 =	vld [tilespmem:s13+$0xFFFFFF80]  }
0x1d: {  	v18 =	vld [tilespmem:s13+$0xFFFFFFB0]  }
0x1e: {  	v20 =	vld [tilespmem:s13+$0xFFFFFFA0]  }
0x1f: {  	v9 =	vimm.f32 $-Inf;
	v23 =	vld [tilespmem:s13+$0xFFFFFF90]  }
0x20: {  	v17 =	vimm.s32 $0x0;
	v10 =	vld [tilespmem:s13+$0x60];
	vm2 =	vgt.f32 v8, v9  }
0x21: {  	v14 =	vld [tilespmem:s13+$0x0];
	vm3 =	vgt.f32 v11, v9;
	v11 =	vmax.f32 v11, v9;
	vm4 =	vgt.f32 v13, v9  }
0x22: {  	v12 =	vld [tilespmem:s13+$0x70];
	vm6 =	vgt.f32 v16, v9;
	v15 =	vmax.f32 v13, v9;
	v16 =	vmax.f32 v16, v9  }
0x23: {  	v19 =	vld [tilespmem:s13+$0x40];
	vm5 =	vgt.f32 v18, v9;
	v22 =	vmax.f32 v18, v9;
	v27 =	vmax.f32 v20, v9  }
0x24: {  	v28 =	vld [tilespmem:s13+$0x10];
	v25 =	vmax.f32 v8, v9;
	vm7 =	vgt.f32 v23, v9;
	v30 =	vmax.f32 v23, v9  }
0x25: {  	v26 =	vld [tilespmem:s13+$0x20];
	v18 =	vimm.s32 $0x0;
	v21 =	vsel vm3, s2, v17;
	vm3 =	vgt.f32 v10, v11  }
0x26: {  	s12 =	simm.s32 $0x1;
	v29 =	vld [tilespmem:s13+$0x30];
	v8 =	vmax.f32 v14, v16;
	v23 =	vsel vm6, s2, v17;
	v31 =	vsel vm7, s2, v17  }
0x27: {  	v24 =	vld [tilespmem:s13+$0xFFFFFFF0];
	vm6 =	vgt.f32 v20, v9;
	v20 =	vimm.s32 $0x0;
	v13 =	vsel vm3, s12, v21  }
0x28: {  	s14 =	simm.s32 $0x2;
	s15 =	simm.s32 $0x180;
	v21 =	vld [tilespmem:s13+$0x50];
	vm3 =	vgt.f32 v14, v16;
	s13 =	simm.s32 $0x0;
	v16 =	vimm.s32 $0x0;
	v14 =	vimm.s32 $0x0  }
.LBB2_2:
0x29: {  	v32 =	vld [tilespmem:s15+$0x70];
	p1 =	slt.u32 s14, $0xFE;
	v17 =	vsel vm4, s13, v17;
	vm4 =	vgt.f32 v28, v30;
	v30 =	vmax.f32 v28, v30;
	s16 =	smov.u32 s14;
	s14 =	sadd.s32 $0x2, s14  }
0x2a: {  	v34 =	vmax.f32 v19, v25;
	v33 =	vld [tilespmem:s15+$0xFFFFFFC0];
	v31 =	vsel vm4, s12, v31;
	vm4 =	vgt.f32 v26, v27  }
0x2b: {  	v18 =	vsel vm6, s13, v18;
	v20 =	vsel vm5, s13, v20;
	v35 =	vmax.f32 v26, v27;
	v28 =	vld [tilespmem:s15+$0xFFFFFFD0]  }
0x2c: {  	vm6 =	vgt.f32 v19, v25;
	v26 =	vld [tilespmem:s15+$0xFFFFFFE0];
	vm5 =	vgt.f32 v29, v22;
	v22 =	vmax.f32 v29, v22  }
0x2d: {  	v16 =	vsel vm2, s13, v16;
	v18 =	vsel vm4, s12, v18;
	v29 =	vld [tilespmem:s15+$0x0];
	v19 =	vmax.f32 v24, v9  }
0x2e: {  	v16 =	vsel vm6, s12, v16;
	vm2 =	vgt.f32 v21, v15;
	v15 =	vmax.f32 v21, v15;
	v25 =	vld [tilespmem:s15+$0x60]  }
0x2f: {  	v23 =	vsel vm3, s12, v23;
	v17 =	vsel vm2, s12, v17;
	v20 =	vsel vm5, s12, v20;
	v21 =	vld [tilespmem:s15+$0xFFFFFF80]  }
0x30: {  	vm3 =	vgt.f32 v24, v9;
	vm4 =	vgt.f32 v12, v19;
	v9 =	vmax.f32 v12, v19;
	v12 =	vmovc v32;
	v27 =	vld [tilespmem:s15+$0xFFFFFFB0]  }
0x31: {  	v36 =	vmax.f32 v10, v11;
	v14 =	vsel vm3, s13, v14;
	s13 =	smov.u32 s16;
	vm2 =	vgt.f32 v33, v34;
	v24 =	vld [tilespmem:s15+$0xFFFFFFA0]  }
0x32: {  	v14 =	vsel vm4, s12, v14;
	vm3 =	vgt.f32 v26, v36;
	v11 =	vmax.f32 v26, v36;
	v32 =	vld [tilespmem:s15+$0xFFFFFF90]  }
0x33: {  	s12 =	sadd.s32 $0x1, s13;
	vm4 =	vgt.f32 v28, v15;
	v13 =	vsel vm3, s13, v13;
	v19 =	vld [tilespmem:s15+$0x40];
	vm3 =	vgt.f32 v25, v11;
	v10 =	vmovc v25  }
.Ltmp0:
0x34: {  	v15 =	vmax.f32 v28, v15;
	vm6 =	vgt.f32 v21, v8;
	v28 =	vld [tilespmem:s15+$0x10];
	v13 =	vsel vm3, s12, v13;
	(pc) =	sbr.rel @p1 .LBB2_2-.Ltmp0, $4  }
0x35: {  	v36 =	vmax.f32 v21, v8;
	vm5 =	vgt.f32 v27, v22;
	v22 =	vmax.f32 v27, v22;
	v26 =	vld [tilespmem:s15+$0x20]  }
0x36: {  	v25 =	vmax.f32 v33, v34;
	v8 =	vmax.f32 v29, v36;
	v27 =	vmax.f32 v24, v35;
	v21 =	vld [tilespmem:s15+$0x50]  }
0x37: {  	vm3 =	vgt.f32 v29, v36;
	vm7 =	vgt.f32 v32, v30;
	v30 =	vmax.f32 v32, v30;
	v29 =	vld [tilespmem:s15+$0x30]  }
0x38: {  	v23 =	vsel vm6, s13, v23;
	vm6 =	vgt.f32 v24, v35;
	v31 =	vsel vm7, s13, v31;
	v24 =	vld [tilespmem:s15+$0xFFFFFFF0];
	s15 =	sadd.s32 $0x100, s15  }
0x39: {  	v17 =	vsel vm4, s13, v17;
	vm14 =	vgt.f32 v28, v30  }
0x3a: {  	v44 =	vmax.f32 v28, v30;
	v46 =	vmax.f32 v19, v25;
	v18 =	vsel vm6, s13, v18  }
0x3b: {  	v20 =	vsel vm5, s13, v20;
	vm10 =	vgt.f32 v19, v25;
	v16 =	vsel vm2, s13, v16  }
0x3c: {  	v51 =	vsel vm3, s12, v23;
	v10 =	vmax.f32 v10, v11;
	v13 =	vshll.u32 v13, $0x7  }
0x3d: {  	v45 =	vsel vm14, s12, v31;
	vm15 =	vgt.f32 v26, v27;
	v47 =	vmax.f32 v26, v27  }
0x3e: {  	v16 =	vsel vm10, s12, v16;
	v54 =	vshll.u32 v51, $0x7;
	v13 =	vor.u32 v6, v13  }
0x3f: {  	v18 =	vsel vm15, s12, v18;
	vm2 =	vgt.f32 v21, v15;
	v50 =	vmax.f32 v21, v15  }
0x40: {  	v56 =	vor.u32 v0, v54;
	v57 =	vshll.u32 v45, $0x7;
	v16 =	vshll.u32 v16, $0x7  }
0x41: {  	vm9 =	vgt.f32 v29, v22;
	v48 =	vmax.f32 v29, v22;
	v17 =	vsel vm2, s12, v17  }
0x42: {  	v18 =	vshll.u32 v18, $0x7;
	v16 =	vor.u32 v4, v16;
	vm15 =	veq.f32 v50, v46  }
0x43: {  	v49 =	vmax.f32 v24, v9;
	v20 =	vsel vm9, s12, v20;
	vm2 =	vgt.f32 v24, v9  }
0x44: {  	v18 =	vor.u32 v2, v18;
	v17 =	vshll.u32 v17, $0x7;
	vm12 =	veq.f32 v48, v47  }
0x45: {  	vm14 =	vgt.f32 v48, v47;
	vm3 =	vgt.f32 v12, v49;
	v52 =	vmax.f32 v12, v49  }
0x46: {  	v53 =	vsel vm2, s13, v14;
	v58 =	vshll.u32 v20, $0x7;
	v14 =	vor.u32 v1, v57  }
0x47: {  	v17 =	vor.u32 v5, v17;
	vm2 =	vgt.f32 v44, v8;
	v55 =	vsel vm3, s12, v53  }
0x48: {  	v19 =	vor.u32 v3, v58;
	vm3 =	veq.f32 v44, v8;
	vm11 =	vlt.s32 v14, v56  }
0x49: {  	vm8 =	vlt.s32 v17, v16;
	vm9 =	veq.f32 v52, v10;
	v11 =	vshll.u32 v55, $0x7  }
0x4a: {  	vm13 =	vlt.s32 v19, v18;
	vm3 =	vmand vm3, vm11;
	vm4 =	vmand vm15, vm8  }
0x4b: {  	vm11 =	vgt.f32 v52, v10;
	vm5 =	vmand vm12, vm13;
	vm2 =	vmor vm2, vm3  }
0x4c: {  	v11 =	vor.u32 v7, v11;
	vm3 =	vmor vm14, vm5;
	v8 =	vsel vm2, v44, v8  }
0x4d: {  	v12 =	vsel vm2, v14, v56;
	vm2 =	vgt.f32 v50, v46;
	vm10 =	vlt.s32 v11, v13  }
0x4e: {  	v59 =	vsel vm3, v48, v47;
	vm2 =	vmor vm2, vm4;
	vm5 =	vmand vm9, vm10  }
0x4f: {  	v18 =	vsel vm3, v19, v18;
	v15 =	vsel vm2, v50, v46;
	vm3 =	vmor vm11, vm5  }
0x50: {  	v16 =	vsel vm2, v17, v16;
	vm2 =	vgt.f32 v59, v8;
	vm12 =	vlt.s32 v18, v12  }
0x51: {  	v9 =	vsel vm3, v52, v10;
	v60 =	vsel vm3, v11, v13;
	vm3 =	veq.f32 v59, v8  }
0x52: {  	vm3 =	vmand vm3, vm12;
	vm13 =	veq.f32 v9, v15;
	vm14 =	vlt.s32 v60, v16  }
0x53: {  	vm2 =	vmor vm2, vm3;
	vm3 =	vgt.f32 v9, v15;
	vm4 =	vmand vm13, vm14  }
0x54: {  	v8 =	vsel vm2, v59, v8;
	vm3 =	vmor vm3, vm4  }
0x55: {  	v61 =	vsel vm2, v18, v12;
	v9 =	vsel vm3, v9, v15;
	v10 =	vsel vm3, v60, v16  }
0x56: {  	vm2 =	veq.f32 v9, v8;
	vm3 =	vlt.s32 v10, v61  }
0x57: {  	vm15 =	vgt.f32 v9, v8;
	vm2 =	vmand vm2, vm3  }
0x58: {  	vm2 =	vmor vm15, vm2  }
0x59: {  	v8 =	vsel vm2, v9, v8  }
0x5a: {  	(xrf0) =	vmax.scan.msk.f32 $0xffff, v8;
	_ =	sdelay $0x5  }
0x5b: {  	v62, _, _ =	vpop (xrf0)  }
0x5c: {  	v63 =	vbroadcast v62, $0xF  }
0x5d: {  	v10 =	vsel vm2, v10, v61  }
0x5e: {  	vm2 =	veq.f32 v8, v63;
	v8 =	vxor.u32 $0x80000000, v10  }
0x5f: {  	v8 =	vnsel vm2, $0xFFFFFFFF, v8  }
0x60: {  	(xrf0) =	vmin.scan.msk.u32 $0xffff, v8;
	_ =	sdelay $0x5  }
0x61: {  	(v2sf) =	vpush v62, $0xF;
	v8, _, _ =	vpop (xrf0)  }
0x62: {  	(v2sf) =	vpush v8, $0xF;
	_ =	sdelay $0xd  }
0x63: {  	s30 =	spop (v2sf)  }
0x64: {  	p1 =	sge.f32 s30, $5.000000000e-01;
	s31 =	spop (v2sf)  }
0x65: {  	s12 =	sxor.u32 $0x80000000, s31  }
0x66: {  	s12 =	simm.s32 @!p1 $0xFFFFFFFF  }
0x67: {  	v8 =	vmov s12  }
0x68: {  	v8 =	vnsel vm0, $0x0, v8  }
0x69: {  	[tilespmem:$0x8000] =	vst v8  }
0x6a: {  	[bflag:$0x0] =	sbarrier.arrive $0xFFFF  }
0x6b: {  	[spmem:s1] =	stream.indirect_vreg.scatter.add.s32 [tilespmem:s8], [sflag:$0x2], $0x1, v0, vm1, $0xb8;
	[tilespmem:$0x8108] =	vst v63  }
0x6c: {  	_ =	swait.ge [sflag:s9], $0x10  }
0x6d: {  	[sflag:s9] =	ssyncset.done $0x0  }
0x6e: {  	s11 =	sadd.s32 $0x1, s11;
	[sflag:s9] =	ssyncadd.s32 $0xFFFFFFF0  }
0x6f: {  	p1 =	sne.s32 s11, s5;
	s12 =	simm.s32 @!p0 $0x1C02;
	[bflag:$0x0] =	sbarrier.arrive $0xFFFF  }
0x70: {  	[hbm:s4], [sflag:s12] =	dma.local @!p0 [spmem:s10], $0x10  }
.Ltmp1:
0x71: {  	_ = 	snop;
	(pc) =	sbr.rel @p1 .LBB2_1-.Ltmp1, $4  }
0x72: {  	s12 =	simm.s32 @!p0 $0x2  }
0x73: {  	_ =	swait.ge @!p0 [sflag:s12], $0x10  }
0x74: {  	[sflag:s12] =	ssyncset.done @!p0 $0x0  }
0x75: {  	[sflag:s12] =	ssyncadd.s32 @!p0 $0xFFFFFFF0  }
0x76: {  	_ =	sfence.sel $0x180000  }
0x77: {  	[bflag:$0x0] =	sbarrier.arrive $0xFFFF  }
0x78: {  	_ =	strace $0x90000047  }
0x79: {  	s0 =	sadd.s32 @!p0 $0x100000, s0;
	[bflag:$0x2] =	sbarrier.arrive $0xFFFF  }
0x7a: {  	[sflag:s0] =	ssyncadd.tile.s32 @!p0 $0x1;
	_ =	shalt  }
.Lfunc_end2:
_tile_overlayer_lowered:
.L_overlay_start_2:
0x7b: {  	(tag) =	ssettag $0x2  }
0x7c: {  	s0 =	rddreg [dreg:$0x0];
	s2 =	stileid.u32  }
0x7d: {  	s1 =	rddreg [dreg:$0x1];
	p0 =	sne.s32 s2, $0x0  }
0x7e: {  	s3 =	rddreg [dreg:$0x2];
	[bflag:$0x3] =	sbarrier.arrive $0xFFFF;
	s2 =	simm.s32 @!p0 $0x1C02  }
0x7f: {  	[timem:s3], [sflag:s2] =	dma.local @!p0 [hbm:s0], s1  }
0x80: {  	s0 =	simm.s32 @!p0 $0x2  }
0x81: {  	_ =	swait.ge @!p0 [sflag:s0], s1  }
0x82: {  	s1 =	ssub.s32 @!p0 $0x0, s1;
	[sflag:s0] =	ssyncset.done @!p0 $0x0  }
0x83: {  	[sflag:s0] =	ssyncadd.s32 @!p0 s1  }
0x84: {  	[bflag:$0x3] =	sbarrier.arrive $0xFFFF  }
0x85: {  	_ =	shalt  }

</sc_bundles>
